<compile_context>
chip_gen: v7x
topology: tpu7x:2x2x1
jax: 0.10.2.dev20260603
libtpu: 0.0.44.dev20260713+nightly
codegen_flags: <defaults>
</compile_context>

<pallas_src>
import functools

import jax
import jax.numpy as jnp
from jax import lax
from jax.experimental import pallas as pl
from jax.experimental.pallas import tpu as pltpu
from jax.experimental.pallas import tpu_sc as plsc

ADMP = 8
B, C, H, W = 8, 384, 32, 32
HW = H * W
N = ADMP * ADMP
KH = H // ADMP
NCHUNK = 16
CW = HW // NCHUNK

_BIG_I = 2**30
_NEG = -3.0e38


def _main_body(xA_ref, xB_ref, cmv_ref, cmi_ref, kp_ref):
    A = xA_ref[0]
    Bf = xB_ref[0]

    resp = jnp.sum(A, axis=0, keepdims=True)
    p = jax.lax.broadcasted_iota(jnp.int32, (N, HW), 1)
    wofp = (p // W // KH) * ADMP + (p % W) // KH
    wrow = jax.lax.broadcasted_iota(jnp.int32, (N, HW), 0)
    inwin = wofp == wrow
    mresp = jnp.where(inwin, jnp.broadcast_to(resp, (N, HW)), _NEG)
    wmax = jnp.max(mresp, axis=1, keepdims=True)
    cand = jnp.where(inwin & (mresp == wmax), p, _BIG_I)
    kp = jnp.min(cand, axis=1)

    prow = jax.lax.broadcasted_iota(jnp.int32, (HW, N), 0)
    onehot = (prow == kp[None, :]).astype(jnp.float32)
    desc = jax.lax.dot(A, onehot, preferred_element_type=jnp.float32)

    a2 = jnp.sum(A * A, axis=0, keepdims=True)
    kpmask = p == kp[:, None]
    d2 = jnp.sum(jnp.where(kpmask, jnp.broadcast_to(a2, (N, HW)), 0.0),
                 axis=1)[:, None]
    f2 = jnp.sum(Bf * Bf, axis=0)[None, :]
    cross = jax.lax.dot_general(desc, Bf, (((0,), (0,)), ((), ())),
                                preferred_element_type=jnp.float32)
    dist = d2 + f2 - 2.0 * cross

    mins = []
    idxs = []
    for c in range(NCHUNK):
        ch = dist[:, c * CW:(c + 1) * CW]
        pch = p[:, c * CW:(c + 1) * CW]
        m = jnp.min(ch, axis=1, keepdims=True)
        gi = jnp.min(jnp.where(ch == m, pch, _BIG_I), axis=1, keepdims=True)
        mins.append(m)
        idxs.append(gi)
    cmv_ref[0] = lax.transpose(jnp.concatenate(mins, axis=1), (1, 0))
    cmi_ref[0] = lax.transpose(jnp.concatenate(idxs, axis=1), (1, 0))
    kp_ref[0, 0] = kp


def _sc_merge_body(cmv_hbm, cmi_hbm, kp_hbm, drow_hbm, dcol_hbm,
                   cmv_v, cmi_v, kp_v, drow_v, dcol_v):
    info = plsc.get_sparse_core_info()
    nc = info.num_cores
    wid = lax.axis_index("s") * nc + lax.axis_index("c")
    b = wid // 4
    k0 = (wid % 4) * 16

    pltpu.sync_copy(cmv_hbm.at[b], cmv_v)
    pltpu.sync_copy(cmi_hbm.at[b], cmi_v)
    pltpu.sync_copy(kp_hbm.at[b, pl.ds(k0, 16)], kp_v)

    best = jnp.zeros((16,), jnp.float32) + 3.0e38
    minv = jnp.zeros((16,), jnp.int32)
    for c in range(NCHUNK):
        vals = cmv_v[c, pl.ds(k0, 16)]
        ids = cmi_v[c, pl.ds(k0, 16)]
        better = vals < best
        minv = jnp.where(better, ids, minv)
        best = jnp.where(better, vals, best)

    kpv = kp_v[...]
    row_A = kpv >> 5
    col_A = kpv & 31
    row_B = minv >> 5
    col_B = minv & 31
    drow_v[...] = (row_B - row_A).astype(jnp.float32)
    dcol_v[...] = (col_A - col_B).astype(jnp.float32)
    pltpu.sync_copy(drow_v, drow_hbm.at[b, pl.ds(k0, 16)])
    pltpu.sync_copy(dcol_v, dcol_hbm.at[b, pl.ds(k0, 16)])


_sc_merge = functools.partial(
    pl.kernel,
    mesh=plsc.VectorSubcoreMesh(core_axis_name="c", subcore_axis_name="s"),
    out_type=[jax.ShapeDtypeStruct((B, N), jnp.float32),
              jax.ShapeDtypeStruct((B, N), jnp.float32)],
    scratch_types=[pltpu.VMEM((NCHUNK, N), jnp.float32),
                   pltpu.VMEM((NCHUNK, N), jnp.int32),
                   pltpu.VMEM((16,), jnp.int32),
                   pltpu.VMEM((16,), jnp.float32),
                   pltpu.VMEM((16,), jnp.float32)],
)(_sc_merge_body)


def _mlp_body(drow_ref, dcol_ref, W1r_ref, b1r_ref, W2r_ref, b2r_ref,
              W1c_ref, b1c_ref, W2c_ref, b2c_ref, out_ref):
    drow = drow_ref[...]
    dcol = dcol_ref[...]
    hr = jnp.maximum(
        jax.lax.dot_general(drow, W1r_ref[...], (((1,), (1,)), ((), ())),
                            preferred_element_type=jnp.float32) + b1r_ref[...],
        0.0)
    w2r = W2r_ref[...].astype(jnp.bfloat16).astype(jnp.float32)
    orr = jnp.sum(hr.astype(jnp.bfloat16).astype(jnp.float32) * w2r,
                  axis=1, keepdims=True) + b2r_ref[0, 0]
    hc = jnp.maximum(
        jax.lax.dot_general(dcol, W1c_ref[...], (((1,), (1,)), ((), ())),
                            preferred_element_type=jnp.float32) + b1c_ref[...],
        0.0)
    w2c = W2c_ref[...].astype(jnp.bfloat16).astype(jnp.float32)
    occ = jnp.sum(hc.astype(jnp.bfloat16).astype(jnp.float32) * w2c,
                  axis=1, keepdims=True) + b2c_ref[0, 0]
    out_ref[...] = jnp.concatenate([orr, occ], axis=1)


def kernel(xA, xB, W1r, b1r, W2r, b2r, W1c, b1c, W2c, b2c):
    xA3 = xA.reshape(B, C, HW)
    xB3 = xB.reshape(B, C, HW)

    cmv, cmi, kp3 = pl.pallas_call(
        _main_body,
        grid=(B,),
        in_specs=[
            pl.BlockSpec((1, C, HW), lambda b: (b, 0, 0)),
            pl.BlockSpec((1, C, HW), lambda b: (b, 0, 0)),
        ],
        out_specs=[
            pl.BlockSpec((1, NCHUNK, N), lambda b: (b, 0, 0)),
            pl.BlockSpec((1, NCHUNK, N), lambda b: (b, 0, 0)),
            pl.BlockSpec((1, 1, N), lambda b: (b, 0, 0)),
        ],
        out_shape=[
            jax.ShapeDtypeStruct((B, NCHUNK, N), jnp.float32),
            jax.ShapeDtypeStruct((B, NCHUNK, N), jnp.int32),
            jax.ShapeDtypeStruct((B, 1, N), jnp.int32),
        ],
        compiler_params=pltpu.CompilerParams(
            dimension_semantics=("parallel",)),
    )(xA3, xB3)

    drow, dcol = _sc_merge(cmv, cmi, kp3.reshape(B, N))

    full = lambda s: pl.BlockSpec(s, lambda i: (0,) * len(s))
    out = pl.pallas_call(
        _mlp_body,
        grid=(1,),
        in_specs=[
            full((B, N)), full((B, N)),
            full((N // 2, N)), full((1, N // 2)),
            full((1, N // 2)), pl.BlockSpec(memory_space=pltpu.SMEM),
            full((N // 2, N)), full((1, N // 2)),
            full((1, N // 2)), pl.BlockSpec(memory_space=pltpu.SMEM),
        ],
        out_specs=pl.BlockSpec((B, 2), lambda i: (0, 0)),
        out_shape=jax.ShapeDtypeStruct((B, 2), jnp.float32),
    )(drow, dcol, W1r, b1r.reshape(1, N // 2), W2r, b2r.reshape(1, 1),
      W1c, b1c.reshape(1, N // 2), W2c, b2c.reshape(1, 1))
    return out

# --- scband reference (transcript-rebuilt; emitter-appended) ---
"""Pipeline reference for scband-deep-stitch-51616916963778 (READ-ONLY COPY).

The authoritative reference and input builder live on the scoring server;
editing this copy changes nothing except your own understanding.
"""

import jax, jax.numpy as jnp
import numpy as np

ADMP = 8
B, C, H, W = 8, 384, 32, 32

def adaptive_max_pool_indices(resp, out):
    b, h, w = resp.shape
    kh, kw = h // out, w // out
    r = resp.reshape(b, out, kh, out, kw).transpose(0, 1, 3, 2, 4).reshape(b, out, out, kh * kw)
    loc = jnp.argmax(r, axis=-1)
    oh = jnp.arange(out)[None, :, None]
    ow = jnp.arange(out)[None, None, :]
    row = oh * kh + loc // kw
    col = ow * kw + loc % kw
    flat = row * w + col
    return flat.reshape(b, -1)

def setup_inputs(seed: int = 0):
    key = jax.random.key(seed)
    ks = jax.random.split(key, 8)
    n = ADMP * ADMP
    xA = jax.random.normal(ks[0], (B, C, H, W), jnp.float32)
    xB = jax.random.normal(ks[1], (B, C, H, W), jnp.float32)
    s1 = 1.0 / np.sqrt(n)
    s2 = 1.0 / np.sqrt(n // 2)
    W1r = jax.random.uniform(ks[2], (n // 2, n), jnp.float32, -s1, s1)
    b1r = jnp.zeros((n // 2,), jnp.float32)
    W2r = jax.random.uniform(ks[3], (1, n // 2), jnp.float32, -s2, s2)
    b2r = jnp.zeros((1,), jnp.float32)
    W1c = jax.random.uniform(ks[4], (n // 2, n), jnp.float32, -s1, s1)
    b1c = jnp.zeros((n // 2,), jnp.float32)
    W2c = jax.random.uniform(ks[5], (1, n // 2), jnp.float32, -s2, s2)
    b2c = jnp.zeros((1,), jnp.float32)
    return {"xA": xA, "xB": xB, "W1r": W1r, "b1r": b1r, "W2r": W2r, "b2r": b2r, "W1c": W1c, "b1c": b1c, "W2c": W2c, "b2c": b2c}

def reference(xA, xB, W1r, b1r, W2r, b2r, W1c, b1c, W2c, b2c):
    # feature_backbone = identity
    feature_A = xA
    feature_B = xB
    b, c, h, w = feature_A.shape
    # featureSelect: sum over channels, adaptive max pool with indices
    resp = feature_A.sum(axis=1)
    idx = adaptive_max_pool_indices(resp, ADMP)  # [b, admp*admp] flat indices into h*w
    n = idx.shape[1]
    row_A = idx // h  # original code uses high_A (square map so == w)
    col_A = idx % h
    fA = feature_A.reshape(b, c, h * w)
    fB = feature_B.reshape(b, c, h * w)
    # gather descriptors of A at keypoints: [b, c, n]
    desc = jnp.take_along_axis(fA, jnp.broadcast_to(idx[:, None, :], (b, c, n)), axis=2)
    # L2 distance of each descriptor against every spatial location of feature_B
    # ||d - f||^2 = ||d||^2 + ||f||^2 - 2 d.f (mathematically identical to the looped subtraction)
    d2 = jnp.sum(desc * desc, axis=1)  # [b, n]
    f2 = jnp.sum(fB * fB, axis=1)      # [b, h*w]
    cross = jnp.einsum('bcn,bcm->bnm', desc, fB)
    dist = d2[:, :, None] + f2[:, None, :] - 2.0 * cross  # [b, n, h*w]
    min_ind = jnp.argmin(dist, axis=-1)  # [b, n]
    row_B = min_ind // h
    col_B = min_ind % h
    drow_T = (row_B - row_A).astype(jnp.float32)
    dcol_T = (col_A - col_B).astype(jnp.float32)
    # filterDrow / filterDcol MLPs (Dropout is identity in eval mode)
    out_drow = jnp.maximum(drow_T @ W1r.T + b1r, 0.0) @ W2r.T + b2r
    out_dcol = jnp.maximum(dcol_T @ W1c.T + b1c, 0.0) @ W2c.T + b2c
    return jnp.concatenate([out_drow, out_dcol], axis=1)

if __name__ == "__main__":
    import jax
    _d = setup_inputs()
    print(jax.jit(kernel)(*tuple(_d.values())))

</pallas_src>

<mosaic_0001>
#map = affine_map<(d0, d1) -> (0, 0, 0)>
#map1 = affine_map<(d0, d1) -> (0, 0)>
module attributes {stable_mosaic.version = 14 : i64} {
  func.func @_sc_merge_body(%arg0: i32, %arg1: i32, %arg2: memref<8x16x64xf32, #tpu.memory_space<hbm>>, %arg3: memref<8x16x64xi32, #tpu.memory_space<hbm>>, %arg4: memref<8x64xi32, #tpu.memory_space<hbm>>, %arg5: memref<8x64xf32, #tpu.memory_space<hbm>>, %arg6: memref<8x64xf32, #tpu.memory_space<hbm>>, %arg7: memref<16x64xf32, #tpu.memory_space<vmem>>, %arg8: memref<16x64xi32, #tpu.memory_space<vmem>>, %arg9: memref<16xi32, #tpu.memory_space<vmem>>, %arg10: memref<16xf32, #tpu.memory_space<vmem>>, %arg11: memref<16xf32, #tpu.memory_space<vmem>>) attributes {dimension_semantics = [#tpu.dimension_semantics<core_parallel>, #tpu.dimension_semantics<subcore_parallel>], iteration_bounds = array<i64: 2, 16>, scalar_prefetch = 0 : i64, scratch_operands = 5 : i64, tpu.core_type = #tpu.core_type<sc_vector_subcore>, window_params = [{transform_indices = #map}, {transform_indices = #map}, {transform_indices = #map1}, {transform_indices = #map1}, {transform_indices = #map1}]} {
    %mul3A = arith.constant 2 : i32
    %mul3A_0 = arith.muli %arg1, %mul3A : i32
    %add3A = arith.addi %mul3A_0, %arg0 : i32
    %jit3A = arith.constant 4 : i32
    %div3A = arith.divsi %add3A, %jit3A : i32
    %sign3A = arith.constant 0 : i32
    %sign3A_1 = arith.cmpi sgt, %add3A, %sign3A : i32
    %sign3A_2 = arith.extui %sign3A_1 : i1 to i32
    %sign3A_3 = arith.constant 0 : i32
    %sign3A_4 = arith.cmpi slt, %add3A, %sign3A_3 : i32
    %sign3A_5 = arith.extui %sign3A_4 : i1 to i32
    %sign3A_6 = arith.subi %sign3A_2, %sign3A_5 : i32
    %sign3A_7 = arith.constant 0 : i32
    %sign3A_8 = arith.cmpi sgt, %jit3A, %sign3A_7 : i32
    %sign3A_9 = arith.extui %sign3A_8 : i1 to i32
    %sign3A_10 = arith.constant 0 : i32
    %sign3A_11 = arith.cmpi slt, %jit3A, %sign3A_10 : i32
    %sign3A_12 = arith.extui %sign3A_11 : i1 to i32
    %sign3A_13 = arith.subi %sign3A_9, %sign3A_12 : i32
    %ne3A = arith.cmpi ne, %sign3A_6, %sign3A_13 : i32
    %rem3A = arith.remsi %add3A, %jit3A : i32
    %ne3A_14 = arith.constant 0 : i32
    %ne3A_15 = arith.cmpi ne, %rem3A, %ne3A_14 : i32
    %and3A = arith.andi %ne3A, %ne3A_15 : i1
    %sub3A = arith.constant 1 : i32
    %sub3A_16 = arith.subi %div3A, %sub3A : i32
    %select_n3A = arith.select %and3A, %sub3A_16, %div3A : i32
    %jit3A_17 = arith.constant 4 : i32
    %eq3A = arith.constant 0 : i32
    %eq3A_18 = arith.cmpi eq, %jit3A_17, %eq3A : i32
    %jit3A_19 = arith.constant 1 : i32
    %select_n3A_20 = arith.select %eq3A_18, %jit3A_19, %jit3A_17 : i32
    %rem3A_21 = arith.remsi %add3A, %select_n3A_20 : i32
    %ne3A_22 = arith.constant 0 : i32
    %ne3A_23 = arith.cmpi ne, %rem3A_21, %ne3A_22 : i32
    %lt3A = arith.constant 0 : i32
    %lt3A_24 = arith.cmpi slt, %rem3A_21, %lt3A : i32
    %lt3A_25 = arith.constant 0 : i32
    %lt3A_26 = arith.cmpi slt, %select_n3A_20, %lt3A_25 : i32
    %ne3A_27 = arith.xori %lt3A_24, %lt3A_26 : i1
    %and3A_28 = arith.andi %ne3A_27, %ne3A_23 : i1
    %add3A_29 = arith.addi %rem3A_21, %select_n3A_20 : i32
    %select_n3A_30 = arith.select %and3A_28, %add3A_29, %rem3A_21 : i32
    %mul3A_31 = arith.constant 16 : i32
    %mul3A_32 = arith.muli %select_n3A_30, %mul3A_31 : i32
    "tpu.region"() ({
      %run_scoped3A = tpu.sem_alloc : memref<!tpu.dma_semaphore, #tpu.memory_space<semaphore_mem>>
      %dma_start3A = arith.constant 0 : i32
      %dma_start3A_270 = arith.constant 0 : i32
      %dma_start3A_271 = tpu.memref_slice %arg2[%select_n3A, %dma_start3A, %dma_start3A_270] : memref<8x16x64xf32, #tpu.memory_space<hbm>> -> memref<1x16x64xf32, #tpu.memory_space<hbm>>
      %dma_start3A_272 = tpu.memref_squeeze %dma_start3A_271 : memref<1x16x64xf32, #tpu.memory_space<hbm>> -> memref<16x64xf32, #tpu.memory_space<hbm>>
      %dma_start3A_273 = arith.constant 0 : i32
      %dma_start3A_274 = arith.constant 0 : i32
      %dma_start3A_275 = tpu.memref_slice %arg2[%select_n3A, %dma_start3A_273, %dma_start3A_274] : memref<8x16x64xf32, #tpu.memory_space<hbm>> -> memref<1x16x64xf32, #tpu.memory_space<hbm>>
      %dma_start3A_276 = tpu.memref_squeeze %dma_start3A_275 : memref<1x16x64xf32, #tpu.memory_space<hbm>> -> memref<16x64xf32, #tpu.memory_space<hbm>>
      tpu.enqueue_dma source(%dma_start3A_276 : memref<16x64xf32, #tpu.memory_space<hbm>>) target(%arg7 : memref<16x64xf32, #tpu.memory_space<vmem>>) target_semaphore(%run_scoped3A : memref<!tpu.dma_semaphore, #tpu.memory_space<semaphore_mem>>)
      %dma_wait3A = arith.constant 0 : i32
      %dma_wait3A_277 = arith.constant 0 : i32
      %dma_wait3A_278 = tpu.memref_slice %arg2[%select_n3A, %dma_wait3A, %dma_wait3A_277] : memref<8x16x64xf32, #tpu.memory_space<hbm>> -> memref<1x16x64xf32, #tpu.memory_space<hbm>>
      %dma_wait3A_279 = tpu.memref_squeeze %dma_wait3A_278 : memref<1x16x64xf32, #tpu.memory_space<hbm>> -> memref<16x64xf32, #tpu.memory_space<hbm>>
      %dma_wait3A_280 = arith.constant 0 : i32
      %dma_wait3A_281 = arith.constant 0 : i32
      %dma_wait3A_282 = tpu.memref_slice %arg2[%select_n3A, %dma_wait3A_280, %dma_wait3A_281] : memref<8x16x64xf32, #tpu.memory_space<hbm>> -> memref<1x16x64xf32, #tpu.memory_space<hbm>>
      %dma_wait3A_283 = tpu.memref_squeeze %dma_wait3A_282 : memref<1x16x64xf32, #tpu.memory_space<hbm>> -> memref<16x64xf32, #tpu.memory_space<hbm>>
      tpu.wait_dma2 semaphore(%run_scoped3A : memref<!tpu.dma_semaphore, #tpu.memory_space<semaphore_mem>>) src(%dma_wait3A_283 : memref<16x64xf32, #tpu.memory_space<hbm>>) dst(%arg7 : memref<16x64xf32, #tpu.memory_space<vmem>>)
      tpu.yield
    }) : () -> ()
    "tpu.region"() ({
      %run_scoped3A = tpu.sem_alloc : memref<!tpu.dma_semaphore, #tpu.memory_space<semaphore_mem>>
      %dma_start3A = arith.constant 0 : i32
      %dma_start3A_270 = arith.constant 0 : i32
      %dma_start3A_271 = tpu.memref_slice %arg3[%select_n3A, %dma_start3A, %dma_start3A_270] : memref<8x16x64xi32, #tpu.memory_space<hbm>> -> memref<1x16x64xi32, #tpu.memory_space<hbm>>
      %dma_start3A_272 = tpu.memref_squeeze %dma_start3A_271 : memref<1x16x64xi32, #tpu.memory_space<hbm>> -> memref<16x64xi32, #tpu.memory_space<hbm>>
      %dma_start3A_273 = arith.constant 0 : i32
      %dma_start3A_274 = arith.constant 0 : i32
      %dma_start3A_275 = tpu.memref_slice %arg3[%select_n3A, %dma_start3A_273, %dma_start3A_274] : memref<8x16x64xi32, #tpu.memory_space<hbm>> -> memref<1x16x64xi32, #tpu.memory_space<hbm>>
      %dma_start3A_276 = tpu.memref_squeeze %dma_start3A_275 : memref<1x16x64xi32, #tpu.memory_space<hbm>> -> memref<16x64xi32, #tpu.memory_space<hbm>>
      tpu.enqueue_dma source(%dma_start3A_276 : memref<16x64xi32, #tpu.memory_space<hbm>>) target(%arg8 : memref<16x64xi32, #tpu.memory_space<vmem>>) target_semaphore(%run_scoped3A : memref<!tpu.dma_semaphore, #tpu.memory_space<semaphore_mem>>)
      %dma_wait3A = arith.constant 0 : i32
      %dma_wait3A_277 = arith.constant 0 : i32
      %dma_wait3A_278 = tpu.memref_slice %arg3[%select_n3A, %dma_wait3A, %dma_wait3A_277] : memref<8x16x64xi32, #tpu.memory_space<hbm>> -> memref<1x16x64xi32, #tpu.memory_space<hbm>>
      %dma_wait3A_279 = tpu.memref_squeeze %dma_wait3A_278 : memref<1x16x64xi32, #tpu.memory_space<hbm>> -> memref<16x64xi32, #tpu.memory_space<hbm>>
      %dma_wait3A_280 = arith.constant 0 : i32
      %dma_wait3A_281 = arith.constant 0 : i32
      %dma_wait3A_282 = tpu.memref_slice %arg3[%select_n3A, %dma_wait3A_280, %dma_wait3A_281] : memref<8x16x64xi32, #tpu.memory_space<hbm>> -> memref<1x16x64xi32, #tpu.memory_space<hbm>>
      %dma_wait3A_283 = tpu.memref_squeeze %dma_wait3A_282 : memref<1x16x64xi32, #tpu.memory_space<hbm>> -> memref<16x64xi32, #tpu.memory_space<hbm>>
      tpu.wait_dma2 semaphore(%run_scoped3A : memref<!tpu.dma_semaphore, #tpu.memory_space<semaphore_mem>>) src(%dma_wait3A_283 : memref<16x64xi32, #tpu.memory_space<hbm>>) dst(%arg8 : memref<16x64xi32, #tpu.memory_space<vmem>>)
      tpu.yield
    }) : () -> ()
    "tpu.region"() ({
      %run_scoped3A = tpu.sem_alloc : memref<!tpu.dma_semaphore, #tpu.memory_space<semaphore_mem>>
      %dma_start3A = tpu.memref_slice %arg4[%select_n3A, %mul3A_32] : memref<8x64xi32, #tpu.memory_space<hbm>> -> memref<1x16xi32, #tpu.memory_space<hbm>>
      %dma_start3A_270 = tpu.memref_squeeze %dma_start3A : memref<1x16xi32, #tpu.memory_space<hbm>> -> memref<16xi32, #tpu.memory_space<hbm>>
      %dma_start3A_271 = tpu.memref_slice %arg4[%select_n3A, %mul3A_32] : memref<8x64xi32, #tpu.memory_space<hbm>> -> memref<1x16xi32, #tpu.memory_space<hbm>>
      %dma_start3A_272 = tpu.memref_squeeze %dma_start3A_271 : memref<1x16xi32, #tpu.memory_space<hbm>> -> memref<16xi32, #tpu.memory_space<hbm>>
      tpu.enqueue_dma source(%dma_start3A_272 : memref<16xi32, #tpu.memory_space<hbm>>) target(%arg9 : memref<16xi32, #tpu.memory_space<vmem>>) target_semaphore(%run_scoped3A : memref<!tpu.dma_semaphore, #tpu.memory_space<semaphore_mem>>)
      %dma_wait3A = tpu.memref_slice %arg4[%select_n3A, %mul3A_32] : memref<8x64xi32, #tpu.memory_space<hbm>> -> memref<1x16xi32, #tpu.memory_space<hbm>>
      %dma_wait3A_273 = tpu.memref_squeeze %dma_wait3A : memref<1x16xi32, #tpu.memory_space<hbm>> -> memref<16xi32, #tpu.memory_space<hbm>>
      %dma_wait3A_274 = tpu.memref_slice %arg4[%select_n3A, %mul3A_32] : memref<8x64xi32, #tpu.memory_space<hbm>> -> memref<1x16xi32, #tpu.memory_space<hbm>>
      %dma_wait3A_275 = tpu.memref_squeeze %dma_wait3A_274 : memref<1x16xi32, #tpu.memory_space<hbm>> -> memref<16xi32, #tpu.memory_space<hbm>>
      tpu.wait_dma2 semaphore(%run_scoped3A : memref<!tpu.dma_semaphore, #tpu.memory_space<semaphore_mem>>) src(%dma_wait3A_275 : memref<16xi32, #tpu.memory_space<hbm>>) dst(%arg9 : memref<16xi32, #tpu.memory_space<vmem>>)
      tpu.yield
    }) : () -> ()
    %broadcast_in_dim3A = arith.constant 0.000000e+00 : f32
    %broadcast_in_dim3A_33 = vector.broadcast %broadcast_in_dim3A : f32 to vector<16xf32>
    %add3A_34 = arith.constant 3.000000e+38 : f32
    %add3A_35 = vector.broadcast %add3A_34 : f32 to vector<16xf32>
    %add3A_36 = arith.addf %broadcast_in_dim3A_33, %add3A_35 : vector<16xf32>
    %broadcast_in_dim3A_37 = arith.constant 0 : i32
    %broadcast_in_dim3A_38 = vector.broadcast %broadcast_in_dim3A_37 : i32 to vector<16xi32>
    %get3A = arith.constant 0 : i32
    %get3A_39 = arith.index_cast %get3A : i32 to index
    %get3A_40 = arith.index_cast %mul3A_32 : i32 to index
    %get3A_41 = tpu.vector_load %arg7[%get3A_39, %get3A_40] {strides = array<i32>} : memref<16x64xf32, #tpu.memory_space<vmem>>, vector<1x16xf32>,
    %get3A_42 = vector.shape_cast %get3A_41 : vector<1x16xf32> to vector<16xf32>
    %get3A_43 = arith.constant 0 : i32
    %get3A_44 = arith.index_cast %get3A_43 : i32 to index
    %get3A_45 = arith.index_cast %mul3A_32 : i32 to index
    %get3A_46 = tpu.vector_load %arg8[%get3A_44, %get3A_45] {strides = array<i32>} : memref<16x64xi32, #tpu.memory_space<vmem>>, vector<1x16xi32>,
    %get3A_47 = vector.shape_cast %get3A_46 : vector<1x16xi32> to vector<16xi32>
    %lt3A_48 = arith.cmpf olt, %get3A_42, %add3A_36 : vector<16xf32>
    %select_n3A_49 = arith.select %lt3A_48, %get3A_47, %broadcast_in_dim3A_38 : vector<16xi1>, vector<16xi32>
    %select_n3A_50 = arith.select %lt3A_48, %get3A_42, %add3A_36 : vector<16xi1>, vector<16xf32>
    %get3A_51 = arith.constant 1 : i32
    %get3A_52 = arith.index_cast %get3A_51 : i32 to index
    %get3A_53 = arith.index_cast %mul3A_32 : i32 to index
    %get3A_54 = tpu.vector_load %arg7[%get3A_52, %get3A_53] {strides = array<i32>} : memref<16x64xf32, #tpu.memory_space<vmem>>, vector<1x16xf32>,
    %get3A_55 = vector.shape_cast %get3A_54 : vector<1x16xf32> to vector<16xf32>
    %get3A_56 = arith.constant 1 : i32
    %get3A_57 = arith.index_cast %get3A_56 : i32 to index
    %get3A_58 = arith.index_cast %mul3A_32 : i32 to index
    %get3A_59 = tpu.vector_load %arg8[%get3A_57, %get3A_58] {strides = array<i32>} : memref<16x64xi32, #tpu.memory_space<vmem>>, vector<1x16xi32>,
    %get3A_60 = vector.shape_cast %get3A_59 : vector<1x16xi32> to vector<16xi32>
    %lt3A_61 = arith.cmpf olt, %get3A_55, %select_n3A_50 : vector<16xf32>
    %select_n3A_62 = arith.select %lt3A_61, %get3A_60, %select_n3A_49 : vector<16xi1>, vector<16xi32>
    %select_n3A_63 = arith.select %lt3A_61, %get3A_55, %select_n3A_50 : vector<16xi1>, vector<16xf32>
    %get3A_64 = arith.constant 2 : i32
    %get3A_65 = arith.index_cast %get3A_64 : i32 to index
    %get3A_66 = arith.index_cast %mul3A_32 : i32 to index
    %get3A_67 = tpu.vector_load %arg7[%get3A_65, %get3A_66] {strides = array<i32>} : memref<16x64xf32, #tpu.memory_space<vmem>>, vector<1x16xf32>,
    %get3A_68 = vector.shape_cast %get3A_67 : vector<1x16xf32> to vector<16xf32>
    %get3A_69 = arith.constant 2 : i32
    %get3A_70 = arith.index_cast %get3A_69 : i32 to index
    %get3A_71 = arith.index_cast %mul3A_32 : i32 to index
    %get3A_72 = tpu.vector_load %arg8[%get3A_70, %get3A_71] {strides = array<i32>} : memref<16x64xi32, #tpu.memory_space<vmem>>, vector<1x16xi32>,
    %get3A_73 = vector.shape_cast %get3A_72 : vector<1x16xi32> to vector<16xi32>
    %lt3A_74 = arith.cmpf olt, %get3A_68, %select_n3A_63 : vector<16xf32>
    %select_n3A_75 = arith.select %lt3A_74, %get3A_73, %select_n3A_62 : vector<16xi1>, vector<16xi32>
    %select_n3A_76 = arith.select %lt3A_74, %get3A_68, %select_n3A_63 : vector<16xi1>, vector<16xf32>
    %get3A_77 = arith.constant 3 : i32
    %get3A_78 = arith.index_cast %get3A_77 : i32 to index
    %get3A_79 = arith.index_cast %mul3A_32 : i32 to index
    %get3A_80 = tpu.vector_load %arg7[%get3A_78, %get3A_79] {strides = array<i32>} : memref<16x64xf32, #tpu.memory_space<vmem>>, vector<1x16xf32>,
    %get3A_81 = vector.shape_cast %get3A_80 : vector<1x16xf32> to vector<16xf32>
    %get3A_82 = arith.constant 3 : i32
    %get3A_83 = arith.index_cast %get3A_82 : i32 to index
    %get3A_84 = arith.index_cast %mul3A_32 : i32 to index
    %get3A_85 = tpu.vector_load %arg8[%get3A_83, %get3A_84] {strides = array<i32>} : memref<16x64xi32, #tpu.memory_space<vmem>>, vector<1x16xi32>,
    %get3A_86 = vector.shape_cast %get3A_85 : vector<1x16xi32> to vector<16xi32>
    %lt3A_87 = arith.cmpf olt, %get3A_81, %select_n3A_76 : vector<16xf32>
    %select_n3A_88 = arith.select %lt3A_87, %get3A_86, %select_n3A_75 : vector<16xi1>, vector<16xi32>
    %select_n3A_89 = arith.select %lt3A_87, %get3A_81, %select_n3A_76 : vector<16xi1>, vector<16xf32>
    %get3A_90 = arith.constant 4 : i32
    %get3A_91 = arith.index_cast %get3A_90 : i32 to index
    %get3A_92 = arith.index_cast %mul3A_32 : i32 to index
    %get3A_93 = tpu.vector_load %arg7[%get3A_91, %get3A_92] {strides = array<i32>} : memref<16x64xf32, #tpu.memory_space<vmem>>, vector<1x16xf32>,
    %get3A_94 = vector.shape_cast %get3A_93 : vector<1x16xf32> to vector<16xf32>
    %get3A_95 = arith.constant 4 : i32
    %get3A_96 = arith.index_cast %get3A_95 : i32 to index
    %get3A_97 = arith.index_cast %mul3A_32 : i32 to index
    %get3A_98 = tpu.vector_load %arg8[%get3A_96, %get3A_97] {strides = array<i32>} : memref<16x64xi32, #tpu.memory_space<vmem>>, vector<1x16xi32>,
    %get3A_99 = vector.shape_cast %get3A_98 : vector<1x16xi32> to vector<16xi32>
    %lt3A_100 = arith.cmpf olt, %get3A_94, %select_n3A_89 : vector<16xf32>
    %select_n3A_101 = arith.select %lt3A_100, %get3A_99, %select_n3A_88 : vector<16xi1>, vector<16xi32>
    %select_n3A_102 = arith.select %lt3A_100, %get3A_94, %select_n3A_89 : vector<16xi1>, vector<16xf32>
    %get3A_103 = arith.constant 5 : i32
    %get3A_104 = arith.index_cast %get3A_103 : i32 to index
    %get3A_105 = arith.index_cast %mul3A_32 : i32 to index
    %get3A_106 = tpu.vector_load %arg7[%get3A_104, %get3A_105] {strides = array<i32>} : memref<16x64xf32, #tpu.memory_space<vmem>>, vector<1x16xf32>,
    %get3A_107 = vector.shape_cast %get3A_106 : vector<1x16xf32> to vector<16xf32>
    %get3A_108 = arith.constant 5 : i32
    %get3A_109 = arith.index_cast %get3A_108 : i32 to index
    %get3A_110 = arith.index_cast %mul3A_32 : i32 to index
    %get3A_111 = tpu.vector_load %arg8[%get3A_109, %get3A_110] {strides = array<i32>} : memref<16x64xi32, #tpu.memory_space<vmem>>, vector<1x16xi32>,
    %get3A_112 = vector.shape_cast %get3A_111 : vector<1x16xi32> to vector<16xi32>
    %lt3A_113 = arith.cmpf olt, %get3A_107, %select_n3A_102 : vector<16xf32>
    %select_n3A_114 = arith.select %lt3A_113, %get3A_112, %select_n3A_101 : vector<16xi1>, vector<16xi32>
    %select_n3A_115 = arith.select %lt3A_113, %get3A_107, %select_n3A_102 : vector<16xi1>, vector<16xf32>
    %get3A_116 = arith.constant 6 : i32
    %get3A_117 = arith.index_cast %get3A_116 : i32 to index
    %get3A_118 = arith.index_cast %mul3A_32 : i32 to index
    %get3A_119 = tpu.vector_load %arg7[%get3A_117, %get3A_118] {strides = array<i32>} : memref<16x64xf32, #tpu.memory_space<vmem>>, vector<1x16xf32>,
    %get3A_120 = vector.shape_cast %get3A_119 : vector<1x16xf32> to vector<16xf32>
    %get3A_121 = arith.constant 6 : i32
    %get3A_122 = arith.index_cast %get3A_121 : i32 to index
    %get3A_123 = arith.index_cast %mul3A_32 : i32 to index
    %get3A_124 = tpu.vector_load %arg8[%get3A_122, %get3A_123] {strides = array<i32>} : memref<16x64xi32, #tpu.memory_space<vmem>>, vector<1x16xi32>,
    %get3A_125 = vector.shape_cast %get3A_124 : vector<1x16xi32> to vector<16xi32>
    %lt3A_126 = arith.cmpf olt, %get3A_120, %select_n3A_115 : vector<16xf32>
    %select_n3A_127 = arith.select %lt3A_126, %get3A_125, %select_n3A_114 : vector<16xi1>, vector<16xi32>
    %select_n3A_128 = arith.select %lt3A_126, %get3A_120, %select_n3A_115 : vector<16xi1>, vector<16xf32>
    %get3A_129 = arith.constant 7 : i32
    %get3A_130 = arith.index_cast %get3A_129 : i32 to index
    %get3A_131 = arith.index_cast %mul3A_32 : i32 to index
    %get3A_132 = tpu.vector_load %arg7[%get3A_130, %get3A_131] {strides = array<i32>} : memref<16x64xf32, #tpu.memory_space<vmem>>, vector<1x16xf32>,
    %get3A_133 = vector.shape_cast %get3A_132 : vector<1x16xf32> to vector<16xf32>
    %get3A_134 = arith.constant 7 : i32
    %get3A_135 = arith.index_cast %get3A_134 : i32 to index
    %get3A_136 = arith.index_cast %mul3A_32 : i32 to index
    %get3A_137 = tpu.vector_load %arg8[%get3A_135, %get3A_136] {strides = array<i32>} : memref<16x64xi32, #tpu.memory_space<vmem>>, vector<1x16xi32>,
    %get3A_138 = vector.shape_cast %get3A_137 : vector<1x16xi32> to vector<16xi32>
    %lt3A_139 = arith.cmpf olt, %get3A_133, %select_n3A_128 : vector<16xf32>
    %select_n3A_140 = arith.select %lt3A_139, %get3A_138, %select_n3A_127 : vector<16xi1>, vector<16xi32>
    %select_n3A_141 = arith.select %lt3A_139, %get3A_133, %select_n3A_128 : vector<16xi1>, vector<16xf32>
    %get3A_142 = arith.constant 8 : i32
    %get3A_143 = arith.index_cast %get3A_142 : i32 to index
    %get3A_144 = arith.index_cast %mul3A_32 : i32 to index
    %get3A_145 = tpu.vector_load %arg7[%get3A_143, %get3A_144] {strides = array<i32>} : memref<16x64xf32, #tpu.memory_space<vmem>>, vector<1x16xf32>,
    %get3A_146 = vector.shape_cast %get3A_145 : vector<1x16xf32> to vector<16xf32>
    %get3A_147 = arith.constant 8 : i32
    %get3A_148 = arith.index_cast %get3A_147 : i32 to index
    %get3A_149 = arith.index_cast %mul3A_32 : i32 to index
    %get3A_150 = tpu.vector_load %arg8[%get3A_148, %get3A_149] {strides = array<i32>} : memref<16x64xi32, #tpu.memory_space<vmem>>, vector<1x16xi32>,
    %get3A_151 = vector.shape_cast %get3A_150 : vector<1x16xi32> to vector<16xi32>
    %lt3A_152 = arith.cmpf olt, %get3A_146, %select_n3A_141 : vector<16xf32>
    %select_n3A_153 = arith.select %lt3A_152, %get3A_151, %select_n3A_140 : vector<16xi1>, vector<16xi32>
    %select_n3A_154 = arith.select %lt3A_152, %get3A_146, %select_n3A_141 : vector<16xi1>, vector<16xf32>
    %get3A_155 = arith.constant 9 : i32
    %get3A_156 = arith.index_cast %get3A_155 : i32 to index
    %get3A_157 = arith.index_cast %mul3A_32 : i32 to index
    %get3A_158 = tpu.vector_load %arg7[%get3A_156, %get3A_157] {strides = array<i32>} : memref<16x64xf32, #tpu.memory_space<vmem>>, vector<1x16xf32>,
    %get3A_159 = vector.shape_cast %get3A_158 : vector<1x16xf32> to vector<16xf32>
    %get3A_160 = arith.constant 9 : i32
    %get3A_161 = arith.index_cast %get3A_160 : i32 to index
    %get3A_162 = arith.index_cast %mul3A_32 : i32 to index
    %get3A_163 = tpu.vector_load %arg8[%get3A_161, %get3A_162] {strides = array<i32>} : memref<16x64xi32, #tpu.memory_space<vmem>>, vector<1x16xi32>,
    %get3A_164 = vector.shape_cast %get3A_163 : vector<1x16xi32> to vector<16xi32>
    %lt3A_165 = arith.cmpf olt, %get3A_159, %select_n3A_154 : vector<16xf32>
    %select_n3A_166 = arith.select %lt3A_165, %get3A_164, %select_n3A_153 : vector<16xi1>, vector<16xi32>
    %select_n3A_167 = arith.select %lt3A_165, %get3A_159, %select_n3A_154 : vector<16xi1>, vector<16xf32>
    %get3A_168 = arith.constant 10 : i32
    %get3A_169 = arith.index_cast %get3A_168 : i32 to index
    %get3A_170 = arith.index_cast %mul3A_32 : i32 to index
    %get3A_171 = tpu.vector_load %arg7[%get3A_169, %get3A_170] {strides = array<i32>} : memref<16x64xf32, #tpu.memory_space<vmem>>, vector<1x16xf32>,
    %get3A_172 = vector.shape_cast %get3A_171 : vector<1x16xf32> to vector<16xf32>
    %get3A_173 = arith.constant 10 : i32
    %get3A_174 = arith.index_cast %get3A_173 : i32 to index
    %get3A_175 = arith.index_cast %mul3A_32 : i32 to index
    %get3A_176 = tpu.vector_load %arg8[%get3A_174, %get3A_175] {strides = array<i32>} : memref<16x64xi32, #tpu.memory_space<vmem>>, vector<1x16xi32>,
    %get3A_177 = vector.shape_cast %get3A_176 : vector<1x16xi32> to vector<16xi32>
    %lt3A_178 = arith.cmpf olt, %get3A_172, %select_n3A_167 : vector<16xf32>
    %select_n3A_179 = arith.select %lt3A_178, %get3A_177, %select_n3A_166 : vector<16xi1>, vector<16xi32>
    %select_n3A_180 = arith.select %lt3A_178, %get3A_172, %select_n3A_167 : vector<16xi1>, vector<16xf32>
    %get3A_181 = arith.constant 11 : i32
    %get3A_182 = arith.index_cast %get3A_181 : i32 to index
    %get3A_183 = arith.index_cast %mul3A_32 : i32 to index
    %get3A_184 = tpu.vector_load %arg7[%get3A_182, %get3A_183] {strides = array<i32>} : memref<16x64xf32, #tpu.memory_space<vmem>>, vector<1x16xf32>,
    %get3A_185 = vector.shape_cast %get3A_184 : vector<1x16xf32> to vector<16xf32>
    %get3A_186 = arith.constant 11 : i32
    %get3A_187 = arith.index_cast %get3A_186 : i32 to index
    %get3A_188 = arith.index_cast %mul3A_32 : i32 to index
    %get3A_189 = tpu.vector_load %arg8[%get3A_187, %get3A_188] {strides = array<i32>} : memref<16x64xi32, #tpu.memory_space<vmem>>, vector<1x16xi32>,
    %get3A_190 = vector.shape_cast %get3A_189 : vector<1x16xi32> to vector<16xi32>
    %lt3A_191 = arith.cmpf olt, %get3A_185, %select_n3A_180 : vector<16xf32>
    %select_n3A_192 = arith.select %lt3A_191, %get3A_190, %select_n3A_179 : vector<16xi1>, vector<16xi32>
    %select_n3A_193 = arith.select %lt3A_191, %get3A_185, %select_n3A_180 : vector<16xi1>, vector<16xf32>
    %get3A_194 = arith.constant 12 : i32
    %get3A_195 = arith.index_cast %get3A_194 : i32 to index
    %get3A_196 = arith.index_cast %mul3A_32 : i32 to index
    %get3A_197 = tpu.vector_load %arg7[%get3A_195, %get3A_196] {strides = array<i32>} : memref<16x64xf32, #tpu.memory_space<vmem>>, vector<1x16xf32>,
    %get3A_198 = vector.shape_cast %get3A_197 : vector<1x16xf32> to vector<16xf32>
    %get3A_199 = arith.constant 12 : i32
    %get3A_200 = arith.index_cast %get3A_199 : i32 to index
    %get3A_201 = arith.index_cast %mul3A_32 : i32 to index
    %get3A_202 = tpu.vector_load %arg8[%get3A_200, %get3A_201] {strides = array<i32>} : memref<16x64xi32, #tpu.memory_space<vmem>>, vector<1x16xi32>,
    %get3A_203 = vector.shape_cast %get3A_202 : vector<1x16xi32> to vector<16xi32>
    %lt3A_204 = arith.cmpf olt, %get3A_198, %select_n3A_193 : vector<16xf32>
    %select_n3A_205 = arith.select %lt3A_204, %get3A_203, %select_n3A_192 : vector<16xi1>, vector<16xi32>
    %select_n3A_206 = arith.select %lt3A_204, %get3A_198, %select_n3A_193 : vector<16xi1>, vector<16xf32>
    %get3A_207 = arith.constant 13 : i32
    %get3A_208 = arith.index_cast %get3A_207 : i32 to index
    %get3A_209 = arith.index_cast %mul3A_32 : i32 to index
    %get3A_210 = tpu.vector_load %arg7[%get3A_208, %get3A_209] {strides = array<i32>} : memref<16x64xf32, #tpu.memory_space<vmem>>, vector<1x16xf32>,
    %get3A_211 = vector.shape_cast %get3A_210 : vector<1x16xf32> to vector<16xf32>
    %get3A_212 = arith.constant 13 : i32
    %get3A_213 = arith.index_cast %get3A_212 : i32 to index
    %get3A_214 = arith.index_cast %mul3A_32 : i32 to index
    %get3A_215 = tpu.vector_load %arg8[%get3A_213, %get3A_214] {strides = array<i32>} : memref<16x64xi32, #tpu.memory_space<vmem>>, vector<1x16xi32>,
    %get3A_216 = vector.shape_cast %get3A_215 : vector<1x16xi32> to vector<16xi32>
    %lt3A_217 = arith.cmpf olt, %get3A_211, %select_n3A_206 : vector<16xf32>
    %select_n3A_218 = arith.select %lt3A_217, %get3A_216, %select_n3A_205 : vector<16xi1>, vector<16xi32>
    %select_n3A_219 = arith.select %lt3A_217, %get3A_211, %select_n3A_206 : vector<16xi1>, vector<16xf32>
    %get3A_220 = arith.constant 14 : i32
    %get3A_221 = arith.index_cast %get3A_220 : i32 to index
    %get3A_222 = arith.index_cast %mul3A_32 : i32 to index
    %get3A_223 = tpu.vector_load %arg7[%get3A_221, %get3A_222] {strides = array<i32>} : memref<16x64xf32, #tpu.memory_space<vmem>>, vector<1x16xf32>,
    %get3A_224 = vector.shape_cast %get3A_223 : vector<1x16xf32> to vector<16xf32>
    %get3A_225 = arith.constant 14 : i32
    %get3A_226 = arith.index_cast %get3A_225 : i32 to index
    %get3A_227 = arith.index_cast %mul3A_32 : i32 to index
    %get3A_228 = tpu.vector_load %arg8[%get3A_226, %get3A_227] {strides = array<i32>} : memref<16x64xi32, #tpu.memory_space<vmem>>, vector<1x16xi32>,
    %get3A_229 = vector.shape_cast %get3A_228 : vector<1x16xi32> to vector<16xi32>
    %lt3A_230 = arith.cmpf olt, %get3A_224, %select_n3A_219 : vector<16xf32>
    %select_n3A_231 = arith.select %lt3A_230, %get3A_229, %select_n3A_218 : vector<16xi1>, vector<16xi32>
    %select_n3A_232 = arith.select %lt3A_230, %get3A_224, %select_n3A_219 : vector<16xi1>, vector<16xf32>
    %get3A_233 = arith.constant 15 : i32
    %get3A_234 = arith.index_cast %get3A_233 : i32 to index
    %get3A_235 = arith.index_cast %mul3A_32 : i32 to index
    %get3A_236 = tpu.vector_load %arg7[%get3A_234, %get3A_235] {strides = array<i32>} : memref<16x64xf32, #tpu.memory_space<vmem>>, vector<1x16xf32>,
    %get3A_237 = vector.shape_cast %get3A_236 : vector<1x16xf32> to vector<16xf32>
    %get3A_238 = arith.constant 15 : i32
    %get3A_239 = arith.index_cast %get3A_238 : i32 to index
    %get3A_240 = arith.index_cast %mul3A_32 : i32 to index
    %get3A_241 = tpu.vector_load %arg8[%get3A_239, %get3A_240] {strides = array<i32>} : memref<16x64xi32, #tpu.memory_space<vmem>>, vector<1x16xi32>,
    %get3A_242 = vector.shape_cast %get3A_241 : vector<1x16xi32> to vector<16xi32>
    %lt3A_243 = arith.cmpf olt, %get3A_237, %select_n3A_232 : vector<16xf32>
    %select_n3A_244 = arith.select %lt3A_243, %get3A_242, %select_n3A_231 : vector<16xi1>, vector<16xi32>
    %select_n3A_245 = arith.select %lt3A_243, %get3A_237, %select_n3A_232 : vector<16xi1>, vector<16xf32>
    %get3A_246 = arith.constant 0 : index
    %get3A_247 = tpu.vector_load %arg9[%get3A_246] {strides = array<i32>} : memref<16xi32, #tpu.memory_space<vmem>>, vector<16xi32>,
    %get3A_248 = vector.shape_cast %get3A_247 : vector<16xi32> to vector<16xi32>
    %shift_right_arithmetic3A = arith.constant 5 : i32
    %shift_right_arithmetic3A_249 = vector.broadcast %shift_right_arithmetic3A : i32 to vector<16xi32>
    %shift_right_arithmetic3A_250 = arith.shrsi %get3A_248, %shift_right_arithmetic3A_249 : vector<16xi32>
    %and3A_251 = arith.constant 31 : i32
    %and3A_252 = vector.broadcast %and3A_251 : i32 to vector<16xi32>
    %and3A_253 = arith.andi %get3A_248, %and3A_252 : vector<16xi32>
    %shift_right_arithmetic3A_254 = arith.constant 5 : i32
    %shift_right_arithmetic3A_255 = vector.broadcast %shift_right_arithmetic3A_254 : i32 to vector<16xi32>
    %shift_right_arithmetic3A_256 = arith.shrsi %select_n3A_244, %shift_right_arithmetic3A_255 : vector<16xi32>
    %and3A_257 = arith.constant 31 : i32
    %and3A_258 = vector.broadcast %and3A_257 : i32 to vector<16xi32>
    %and3A_259 = arith.andi %select_n3A_244, %and3A_258 : vector<16xi32>
    %sub3A_260 = arith.subi %shift_right_arithmetic3A_256, %shift_right_arithmetic3A_250 : vector<16xi32>
    %convert_element_type3A = arith.sitofp %sub3A_260 : vector<16xi32> to vector<16xf32>
    %swap3A = arith.constant 0 : index
    %swap3A_261 = tpu.vector_load %arg10[%swap3A] {strides = array<i32>} : memref<16xf32, #tpu.memory_space<vmem>>, vector<16xf32>,
    %swap3A_262 = vector.shape_cast %swap3A_261 : vector<16xf32> to vector<16xf32>
    %swap3A_263 = vector.shape_cast %convert_element_type3A : vector<16xf32> to vector<16xf32>
    tpu.vector_store %arg10[%swap3A], %swap3A_263 {strides = array<i32>} : memref<16xf32, #tpu.memory_space<vmem>>, vector<16xf32>,
    %sub3A_264 = arith.subi %and3A_253, %and3A_259 : vector<16xi32>
    %convert_element_type3A_265 = arith.sitofp %sub3A_264 : vector<16xi32> to vector<16xf32>
    %swap3A_266 = arith.constant 0 : index
    %swap3A_267 = tpu.vector_load %arg11[%swap3A_266] {strides = array<i32>} : memref<16xf32, #tpu.memory_space<vmem>>, vector<16xf32>,
    %swap3A_268 = vector.shape_cast %swap3A_267 : vector<16xf32> to vector<16xf32>
    %swap3A_269 = vector.shape_cast %convert_element_type3A_265 : vector<16xf32> to vector<16xf32>
    tpu.vector_store %arg11[%swap3A_266], %swap3A_269 {strides = array<i32>} : memref<16xf32, #tpu.memory_space<vmem>>, vector<16xf32>,
    "tpu.region"() ({
      %run_scoped3A = tpu.sem_alloc : memref<!tpu.dma_semaphore, #tpu.memory_space<semaphore_mem>>
      %dma_start3A = tpu.memref_slice %arg5[%select_n3A, %mul3A_32] : memref<8x64xf32, #tpu.memory_space<hbm>> -> memref<1x16xf32, #tpu.memory_space<hbm>>
      %dma_start3A_270 = tpu.memref_squeeze %dma_start3A : memref<1x16xf32, #tpu.memory_space<hbm>> -> memref<16xf32, #tpu.memory_space<hbm>>
      %dma_start3A_271 = tpu.memref_slice %arg5[%select_n3A, %mul3A_32] : memref<8x64xf32, #tpu.memory_space<hbm>> -> memref<1x16xf32, #tpu.memory_space<hbm>>
      %dma_start3A_272 = tpu.memref_squeeze %dma_start3A_271 : memref<1x16xf32, #tpu.memory_space<hbm>> -> memref<16xf32, #tpu.memory_space<hbm>>
      tpu.enqueue_dma source(%arg10 : memref<16xf32, #tpu.memory_space<vmem>>) target(%dma_start3A_272 : memref<16xf32, #tpu.memory_space<hbm>>) target_semaphore(%run_scoped3A : memref<!tpu.dma_semaphore, #tpu.memory_space<semaphore_mem>>)
      %dma_wait3A = tpu.memref_slice %arg5[%select_n3A, %mul3A_32] : memref<8x64xf32, #tpu.memory_space<hbm>> -> memref<1x16xf32, #tpu.memory_space<hbm>>
      %dma_wait3A_273 = tpu.memref_squeeze %dma_wait3A : memref<1x16xf32, #tpu.memory_space<hbm>> -> memref<16xf32, #tpu.memory_space<hbm>>
      %dma_wait3A_274 = tpu.memref_slice %arg5[%select_n3A, %mul3A_32] : memref<8x64xf32, #tpu.memory_space<hbm>> -> memref<1x16xf32, #tpu.memory_space<hbm>>
      %dma_wait3A_275 = tpu.memref_squeeze %dma_wait3A_274 : memref<1x16xf32, #tpu.memory_space<hbm>> -> memref<16xf32, #tpu.memory_space<hbm>>
      tpu.wait_dma2 semaphore(%run_scoped3A : memref<!tpu.dma_semaphore, #tpu.memory_space<semaphore_mem>>) src(%arg10 : memref<16xf32, #tpu.memory_space<vmem>>) dst(%dma_wait3A_275 : memref<16xf32, #tpu.memory_space<hbm>>)
      tpu.yield
    }) : () -> ()
    "tpu.region"() ({
      %run_scoped3A = tpu.sem_alloc : memref<!tpu.dma_semaphore, #tpu.memory_space<semaphore_mem>>
      %dma_start3A = tpu.memref_slice %arg6[%select_n3A, %mul3A_32] : memref<8x64xf32, #tpu.memory_space<hbm>> -> memref<1x16xf32, #tpu.memory_space<hbm>>
      %dma_start3A_270 = tpu.memref_squeeze %dma_start3A : memref<1x16xf32, #tpu.memory_space<hbm>> -> memref<16xf32, #tpu.memory_space<hbm>>
      %dma_start3A_271 = tpu.memref_slice %arg6[%select_n3A, %mul3A_32] : memref<8x64xf32, #tpu.memory_space<hbm>> -> memref<1x16xf32, #tpu.memory_space<hbm>>
      %dma_start3A_272 = tpu.memref_squeeze %dma_start3A_271 : memref<1x16xf32, #tpu.memory_space<hbm>> -> memref<16xf32, #tpu.memory_space<hbm>>
      tpu.enqueue_dma source(%arg11 : memref<16xf32, #tpu.memory_space<vmem>>) target(%dma_start3A_272 : memref<16xf32, #tpu.memory_space<hbm>>) target_semaphore(%run_scoped3A : memref<!tpu.dma_semaphore, #tpu.memory_space<semaphore_mem>>)
      %dma_wait3A = tpu.memref_slice %arg6[%select_n3A, %mul3A_32] : memref<8x64xf32, #tpu.memory_space<hbm>> -> memref<1x16xf32, #tpu.memory_space<hbm>>
      %dma_wait3A_273 = tpu.memref_squeeze %dma_wait3A : memref<1x16xf32, #tpu.memory_space<hbm>> -> memref<16xf32, #tpu.memory_space<hbm>>
      %dma_wait3A_274 = tpu.memref_slice %arg6[%select_n3A, %mul3A_32] : memref<8x64xf32, #tpu.memory_space<hbm>> -> memref<1x16xf32, #tpu.memory_space<hbm>>
      %dma_wait3A_275 = tpu.memref_squeeze %dma_wait3A_274 : memref<1x16xf32, #tpu.memory_space<hbm>> -> memref<16xf32, #tpu.memory_space<hbm>>
      tpu.wait_dma2 semaphore(%run_scoped3A : memref<!tpu.dma_semaphore, #tpu.memory_space<semaphore_mem>>) src(%arg11 : memref<16xf32, #tpu.memory_space<vmem>>) dst(%dma_wait3A_275 : memref<16xf32, #tpu.memory_space<hbm>>)
      tpu.yield
    }) : () -> ()
    return
  }
}

module attributes {stable_mosaic.version = 14 : i64} {
  func.func @_main_body(%arg0: i32, %arg1: memref<1x384x1024xf32, #tpu.memory_space<vmem>>, %arg2: memref<1x384x1024xf32, #tpu.memory_space<vmem>>, %arg3: memref<1x16x64xf32, #tpu.memory_space<vmem>>, %arg4: memref<1x16x64xi32, #tpu.memory_space<vmem>>, %arg5: memref<1x1x64xi32, #tpu.memory_space<vmem>>) attributes {dimension_semantics = [#tpu.dimension_semantics<parallel>], iteration_bounds = array<i64: 8>, scalar_prefetch = 0 : i64, scratch_operands = 0 : i64, tpu.core_type = #tpu.core_type<tc>, window_params = [{transform_indices = @transform_0, window_bounds = array<i64: 1, 384, 1024>}, {transform_indices = @transform_1, window_bounds = array<i64: 1, 384, 1024>}, {transform_indices = @transform_2, window_bounds = array<i64: 1, 16, 64>}, {transform_indices = @transform_3, window_bounds = array<i64: 1, 16, 64>}, {transform_indices = @transform_4, window_bounds = array<i64: 1, 1, 64>}]} {
    %get3A = arith.constant 0 : index
    %get3A_0 = arith.constant 0 : index
    %get3A_1 = arith.constant 0 : index
    %get3A_2 = vector.load %arg1[%get3A, %get3A_0, %get3A_1] : memref<1x384x1024xf32, #tpu.memory_space<vmem>>, vector<1x384x1024xf32>
    %get3A_3 = vector.shape_cast %get3A_2 : vector<1x384x1024xf32> to vector<384x1024xf32>
    %get3A_4 = arith.constant 0 : index
    %get3A_5 = arith.constant 0 : index
    %get3A_6 = arith.constant 0 : index
    %get3A_7 = vector.load %arg2[%get3A_4, %get3A_5, %get3A_6] : memref<1x384x1024xf32, #tpu.memory_space<vmem>>, vector<1x384x1024xf32>
    %get3A_8 = vector.shape_cast %get3A_7 : vector<1x384x1024xf32> to vector<384x1024xf32>
    %reduce_sum3A = arith.constant dense<0.000000e+00> : vector<1024xf32>
    %reduce_sum3A_9 = vector.multi_reduction <add>, %get3A_3, %reduce_sum3A [0] : vector<384x1024xf32> to vector<1024xf32>
    %broadcast_in_dim3A = vector.shape_cast %reduce_sum3A_9 : vector<1024xf32> to vector<1x1024xf32>
    %iota3A = tpu.iota {dimensions = array<i32: 1>} : vector<64x1024xi32>
    %jit3A = arith.constant 32 : i32
    %div3A = vector.broadcast %jit3A : i32 to vector<64x1024xi32>
    %div3A_10 = arith.divsi %iota3A, %div3A : vector<64x1024xi32>
    %sign3A = arith.constant 0 : i32
    %sign3A_11 = vector.broadcast %sign3A : i32 to vector<64x1024xi32>
    %sign3A_12 = arith.cmpi sgt, %iota3A, %sign3A_11 : vector<64x1024xi32>
    %sign3A_13 = arith.extui %sign3A_12 : vector<64x1024xi1> to vector<64x1024xi32>
    %sign3A_14 = arith.constant 0 : i32
    %sign3A_15 = vector.broadcast %sign3A_14 : i32 to vector<64x1024xi32>
    %sign3A_16 = arith.cmpi slt, %iota3A, %sign3A_15 : vector<64x1024xi32>
    %sign3A_17 = arith.extui %sign3A_16 : vector<64x1024xi1> to vector<64x1024xi32>
    %sign3A_18 = arith.subi %sign3A_13, %sign3A_17 : vector<64x1024xi32>
    %sign3A_19 = arith.constant 0 : i32
    %sign3A_20 = arith.cmpi sgt, %jit3A, %sign3A_19 : i32
    %sign3A_21 = arith.extui %sign3A_20 : i1 to i32
    %sign3A_22 = arith.constant 0 : i32
    %sign3A_23 = arith.cmpi slt, %jit3A, %sign3A_22 : i32
    %sign3A_24 = arith.extui %sign3A_23 : i1 to i32
    %sign3A_25 = arith.subi %sign3A_21, %sign3A_24 : i32
    %ne3A = vector.broadcast %sign3A_25 : i32 to vector<64x1024xi32>
    %ne3A_26 = arith.cmpi ne, %sign3A_18, %ne3A : vector<64x1024xi32>
    %rem3A = vector.broadcast %jit3A : i32 to vector<64x1024xi32>
    %rem3A_27 = arith.remsi %iota3A, %rem3A : vector<64x1024xi32>
    %ne3A_28 = arith.constant 0 : i32
    %ne3A_29 = vector.broadcast %ne3A_28 : i32 to vector<64x1024xi32>
    %ne3A_30 = arith.cmpi ne, %rem3A_27, %ne3A_29 : vector<64x1024xi32>
    %and3A = arith.andi %ne3A_26, %ne3A_30 : vector<64x1024xi1>
    %sub3A = arith.constant 1 : i32
    %sub3A_31 = vector.broadcast %sub3A : i32 to vector<64x1024xi32>
    %sub3A_32 = arith.subi %div3A_10, %sub3A_31 : vector<64x1024xi32>
    %select_n3A = arith.select %and3A, %sub3A_32, %div3A_10 : vector<64x1024xi1>, vector<64x1024xi32>
    %jit3A_33 = arith.constant 4 : i32
    %div3A_34 = vector.broadcast %jit3A_33 : i32 to vector<64x1024xi32>
    %div3A_35 = arith.divsi %select_n3A, %div3A_34 : vector<64x1024xi32>
    %sign3A_36 = arith.constant 0 : i32
    %sign3A_37 = vector.broadcast %sign3A_36 : i32 to vector<64x1024xi32>
    %sign3A_38 = arith.cmpi sgt, %select_n3A, %sign3A_37 : vector<64x1024xi32>
    %sign3A_39 = arith.extui %sign3A_38 : vector<64x1024xi1> to vector<64x1024xi32>
    %sign3A_40 = arith.constant 0 : i32
    %sign3A_41 = vector.broadcast %sign3A_40 : i32 to vector<64x1024xi32>
    %sign3A_42 = arith.cmpi slt, %select_n3A, %sign3A_41 : vector<64x1024xi32>
    %sign3A_43 = arith.extui %sign3A_42 : vector<64x1024xi1> to vector<64x1024xi32>
    %sign3A_44 = arith.subi %sign3A_39, %sign3A_43 : vector<64x1024xi32>
    %sign3A_45 = arith.constant 0 : i32
    %sign3A_46 = arith.cmpi sgt, %jit3A_33, %sign3A_45 : i32
    %sign3A_47 = arith.extui %sign3A_46 : i1 to i32
    %sign3A_48 = arith.constant 0 : i32
    %sign3A_49 = arith.cmpi slt, %jit3A_33, %sign3A_48 : i32
    %sign3A_50 = arith.extui %sign3A_49 : i1 to i32
    %sign3A_51 = arith.subi %sign3A_47, %sign3A_50 : i32
    %ne3A_52 = vector.broadcast %sign3A_51 : i32 to vector<64x1024xi32>
    %ne3A_53 = arith.cmpi ne, %sign3A_44, %ne3A_52 : vector<64x1024xi32>
    %rem3A_54 = vector.broadcast %jit3A_33 : i32 to vector<64x1024xi32>
    %rem3A_55 = arith.remsi %select_n3A, %rem3A_54 : vector<64x1024xi32>
    %ne3A_56 = arith.constant 0 : i32
    %ne3A_57 = vector.broadcast %ne3A_56 : i32 to vector<64x1024xi32>
    %ne3A_58 = arith.cmpi ne, %rem3A_55, %ne3A_57 : vector<64x1024xi32>
    %and3A_59 = arith.andi %ne3A_53, %ne3A_58 : vector<64x1024xi1>
    %sub3A_60 = arith.constant 1 : i32
    %sub3A_61 = vector.broadcast %sub3A_60 : i32 to vector<64x1024xi32>
    %sub3A_62 = arith.subi %div3A_35, %sub3A_61 : vector<64x1024xi32>
    %select_n3A_63 = arith.select %and3A_59, %sub3A_62, %div3A_35 : vector<64x1024xi1>, vector<64x1024xi32>
    %mul3A = arith.constant 8 : i32
    %mul3A_64 = vector.broadcast %mul3A : i32 to vector<64x1024xi32>
    %mul3A_65 = arith.muli %select_n3A_63, %mul3A_64 : vector<64x1024xi32>
    %jit3A_66 = arith.constant 32 : i32
    %eq3A = arith.constant 0 : i32
    %eq3A_67 = arith.cmpi eq, %jit3A_66, %eq3A : i32
    %jit3A_68 = arith.constant 1 : i32
    %select_n3A_69 = arith.select %eq3A_67, %jit3A_68, %jit3A_66 : i32
    %rem3A_70 = vector.broadcast %select_n3A_69 : i32 to vector<64x1024xi32>
    %rem3A_71 = arith.remsi %iota3A, %rem3A_70 : vector<64x1024xi32>
    %ne3A_72 = arith.constant 0 : i32
    %ne3A_73 = vector.broadcast %ne3A_72 : i32 to vector<64x1024xi32>
    %ne3A_74 = arith.cmpi ne, %rem3A_71, %ne3A_73 : vector<64x1024xi32>
    %lt3A = arith.constant 0 : i32
    %lt3A_75 = vector.broadcast %lt3A : i32 to vector<64x1024xi32>
    %lt3A_76 = arith.cmpi slt, %rem3A_71, %lt3A_75 : vector<64x1024xi32>
    %lt3A_77 = arith.constant 0 : i32
    %lt3A_78 = arith.cmpi slt, %select_n3A_69, %lt3A_77 : i32
    %ne3A_79 = vector.broadcast %lt3A_78 : i1 to vector<64x1024xi1>
    %ne3A_80 = vector.broadcast %ne3A_79 : vector<64x1024xi1> to vector<64x1024xi1>
    %ne3A_81 = arith.xori %lt3A_76, %ne3A_80 : vector<64x1024xi1>
    %and3A_82 = arith.andi %ne3A_81, %ne3A_74 : vector<64x1024xi1>
    %add3A = vector.broadcast %select_n3A_69 : i32 to vector<64x1024xi32>
    %add3A_83 = arith.addi %rem3A_71, %add3A : vector<64x1024xi32>
    %select_n3A_84 = arith.select %and3A_82, %add3A_83, %rem3A_71 : vector<64x1024xi1>, vector<64x1024xi32>
    %jit3A_85 = arith.constant 4 : i32
    %div3A_86 = vector.broadcast %jit3A_85 : i32 to vector<64x1024xi32>
    %div3A_87 = arith.divsi %select_n3A_84, %div3A_86 : vector<64x1024xi32>
    %sign3A_88 = arith.constant 0 : i32
    %sign3A_89 = vector.broadcast %sign3A_88 : i32 to vector<64x1024xi32>
    %sign3A_90 = arith.cmpi sgt, %select_n3A_84, %sign3A_89 : vector<64x1024xi32>
    %sign3A_91 = arith.extui %sign3A_90 : vector<64x1024xi1> to vector<64x1024xi32>
    %sign3A_92 = arith.constant 0 : i32
    %sign3A_93 = vector.broadcast %sign3A_92 : i32 to vector<64x1024xi32>
    %sign3A_94 = arith.cmpi slt, %select_n3A_84, %sign3A_93 : vector<64x1024xi32>
    %sign3A_95 = arith.extui %sign3A_94 : vector<64x1024xi1> to vector<64x1024xi32>
    %sign3A_96 = arith.subi %sign3A_91, %sign3A_95 : vector<64x1024xi32>
    %sign3A_97 = arith.constant 0 : i32
    %sign3A_98 = arith.cmpi sgt, %jit3A_85, %sign3A_97 : i32
    %sign3A_99 = arith.extui %sign3A_98 : i1 to i32
    %sign3A_100 = arith.constant 0 : i32
    %sign3A_101 = arith.cmpi slt, %jit3A_85, %sign3A_100 : i32
    %sign3A_102 = arith.extui %sign3A_101 : i1 to i32
    %sign3A_103 = arith.subi %sign3A_99, %sign3A_102 : i32
    %ne3A_104 = vector.broadcast %sign3A_103 : i32 to vector<64x1024xi32>
    %ne3A_105 = arith.cmpi ne, %sign3A_96, %ne3A_104 : vector<64x1024xi32>
    %rem3A_106 = vector.broadcast %jit3A_85 : i32 to vector<64x1024xi32>
    %rem3A_107 = arith.remsi %select_n3A_84, %rem3A_106 : vector<64x1024xi32>
    %ne3A_108 = arith.constant 0 : i32
    %ne3A_109 = vector.broadcast %ne3A_108 : i32 to vector<64x1024xi32>
    %ne3A_110 = arith.cmpi ne, %rem3A_107, %ne3A_109 : vector<64x1024xi32>
    %and3A_111 = arith.andi %ne3A_105, %ne3A_110 : vector<64x1024xi1>
    %sub3A_112 = arith.constant 1 : i32
    %sub3A_113 = vector.broadcast %sub3A_112 : i32 to vector<64x1024xi32>
    %sub3A_114 = arith.subi %div3A_87, %sub3A_113 : vector<64x1024xi32>
    %select_n3A_115 = arith.select %and3A_111, %sub3A_114, %div3A_87 : vector<64x1024xi1>, vector<64x1024xi32>
    %add3A_116 = arith.addi %mul3A_65, %select_n3A_115 : vector<64x1024xi32>
    %iota3A_117 = tpu.iota {dimensions = array<i32: 0>} : vector<64x1024xi32>
    %eq3A_118 = arith.cmpi eq, %add3A_116, %iota3A_117 : vector<64x1024xi32>
    %broadcast_in_dim3A_119 = vector.shape_cast %broadcast_in_dim3A : vector<1x1024xf32> to vector<1x1024xf32>
    %broadcast_in_dim3A_120 = vector.broadcast %broadcast_in_dim3A_119 : vector<1x1024xf32> to vector<64x1024xf32>
    %jit3A_121 = arith.constant -3.000000e+38 : f32
    %broadcast_in_dim3A_122 = vector.broadcast %jit3A_121 : f32 to vector<64x1024xf32>
    %select_n3A_123 = arith.select %eq3A_118, %broadcast_in_dim3A_120, %broadcast_in_dim3A_122 : vector<64x1024xi1>, vector<64x1024xf32>
    %reduce_max3A = arith.constant dense<0xFF800000> : vector<64xf32>
    %reduce_max3A_124 = vector.multi_reduction <maximumf>, %select_n3A_123, %reduce_max3A [1] : vector<64x1024xf32> to vector<64xf32>
    %broadcast_in_dim3A_125 = vector.shape_cast %reduce_max3A_124 : vector<64xf32> to vector<64x1xf32>
    %eq3A_126 = vector.broadcast %broadcast_in_dim3A_125 : vector<64x1xf32> to vector<64x1024xf32>
    %eq3A_127 = arith.cmpf oeq, %select_n3A_123, %eq3A_126 : vector<64x1024xf32>
    %and3A_128 = arith.andi %eq3A_118, %eq3A_127 : vector<64x1024xi1>
    %jit3A_129 = arith.constant 1073741824 : i32
    %broadcast_in_dim3A_130 = vector.broadcast %jit3A_129 : i32 to vector<64x1024xi32>
    %select_n3A_131 = arith.select %and3A_128, %iota3A, %broadcast_in_dim3A_130 : vector<64x1024xi1>, vector<64x1024xi32>
    %reduce_min3A = arith.constant dense<2147483647> : vector<64xi32>
    %reduce_min3A_132 = vector.multi_reduction <minsi>, %select_n3A_131, %reduce_min3A [1] : vector<64x1024xi32> to vector<64xi32>
    %iota3A_133 = tpu.iota {dimensions = array<i32: 0>} : vector<1024x64xi32>
    %broadcast_in_dim3A_134 = vector.shape_cast %reduce_min3A_132 : vector<64xi32> to vector<1x64xi32>
    %eq3A_135 = vector.broadcast %broadcast_in_dim3A_134 : vector<1x64xi32> to vector<1024x64xi32>
    %eq3A_136 = arith.cmpi eq, %iota3A_133, %eq3A_135 : vector<1024x64xi32>
    %convert_element_type3A = arith.extui %eq3A_136 : vector<1024x64xi1> to vector<1024x64xi32>
    %convert_element_type3A_137 = arith.sitofp %convert_element_type3A : vector<1024x64xi32> to vector<1024x64xf32>
    %dot_general3A = arith.constant dense<0.000000e+00> : vector<384x64xf32>
    %dot_general3A_138 = tpu.matmul %get3A_3, %convert_element_type3A_137, %dot_general3A {dimension_numbers = #tpu.dot_dimension_numbers<[1], [0], [0], [1], [0, 0, 1, 1], [], []>, transpose_lhs_hint = false} : vector<384x1024xf32>, vector<1024x64xf32>, vector<384x64xf32> -> vector<384x64xf32>
    %mul3A_139 = arith.mulf %get3A_3, %get3A_3 : vector<384x1024xf32>
    %reduce_sum3A_140 = arith.constant dense<0.000000e+00> : vector<1024xf32>
    %reduce_sum3A_141 = vector.multi_reduction <add>, %mul3A_139, %reduce_sum3A_140 [0] : vector<384x1024xf32> to vector<1024xf32>
    %broadcast_in_dim3A_142 = vector.shape_cast %reduce_sum3A_141 : vector<1024xf32> to vector<1x1024xf32>
    %broadcast_in_dim3A_143 = vector.shape_cast %reduce_min3A_132 : vector<64xi32> to vector<64x1xi32>
    %eq3A_144 = vector.broadcast %broadcast_in_dim3A_143 : vector<64x1xi32> to vector<64x1024xi32>
    %eq3A_145 = arith.cmpi eq, %iota3A, %eq3A_144 : vector<64x1024xi32>
    %broadcast_in_dim3A_146 = vector.shape_cast %broadcast_in_dim3A_142 : vector<1x1024xf32> to vector<1x1024xf32>
    %broadcast_in_dim3A_147 = vector.broadcast %broadcast_in_dim3A_146 : vector<1x1024xf32> to vector<64x1024xf32>
    %jit3A_148 = arith.constant 0.000000e+00 : f32
    %broadcast_in_dim3A_149 = vector.broadcast %jit3A_148 : f32 to vector<64x1024xf32>
    %select_n3A_150 = arith.select %eq3A_145, %broadcast_in_dim3A_147, %broadcast_in_dim3A_149 : vector<64x1024xi1>, vector<64x1024xf32>
    %reduce_sum3A_151 = arith.constant dense<0.000000e+00> : vector<64xf32>
    %reduce_sum3A_152 = vector.multi_reduction <add>, %select_n3A_150, %reduce_sum3A_151 [1] : vector<64x1024xf32> to vector<64xf32>
    %broadcast_in_dim3A_153 = vector.shape_cast %reduce_sum3A_152 : vector<64xf32> to vector<64x1xf32>
    %mul3A_154 = arith.mulf %get3A_8, %get3A_8 : vector<384x1024xf32>
    %reduce_sum3A_155 = arith.constant dense<0.000000e+00> : vector<1024xf32>
    %reduce_sum3A_156 = vector.multi_reduction <add>, %mul3A_154, %reduce_sum3A_155 [0] : vector<384x1024xf32> to vector<1024xf32>
    %broadcast_in_dim3A_157 = vector.shape_cast %reduce_sum3A_156 : vector<1024xf32> to vector<1x1024xf32>
    %dot_general3A_158 = arith.constant dense<0.000000e+00> : vector<64x1024xf32>
    %dot_general3A_159 = tpu.matmul %dot_general3A_138, %get3A_8, %dot_general3A_158 {dimension_numbers = #tpu.dot_dimension_numbers<[0], [0], [1], [1], [0, 1, 1, 1], [], []>, transpose_lhs_hint = false} : vector<384x64xf32>, vector<384x1024xf32>, vector<64x1024xf32> -> vector<64x1024xf32>
    %add3A_160 = vector.broadcast %broadcast_in_dim3A_153 : vector<64x1xf32> to vector<64x1024xf32>
    %add3A_161 = vector.broadcast %broadcast_in_dim3A_157 : vector<1x1024xf32> to vector<64x1024xf32>
    %add3A_162 = arith.addf %add3A_160, %add3A_161 : vector<64x1024xf32>
    %mul3A_163 = arith.constant 2.000000e+00 : f32
    %mul3A_164 = vector.broadcast %mul3A_163 : f32 to vector<64x1024xf32>
    %mul3A_165 = arith.mulf %mul3A_164, %dot_general3A_159 : vector<64x1024xf32>
    %sub3A_166 = arith.subf %add3A_162, %mul3A_165 : vector<64x1024xf32>
    %slice3A = vector.extract_strided_slice %sub3A_166 {offsets = [0, 0], sizes = [64, 64], strides = [1, 1]} : vector<64x1024xf32> to vector<64x64xf32>
    %slice3A_167 = vector.extract_strided_slice %iota3A {offsets = [0, 0], sizes = [64, 64], strides = [1, 1]} : vector<64x1024xi32> to vector<64x64xi32>
    %reduce_min3A_168 = arith.constant dense<0x7F800000> : vector<64xf32>
    %reduce_min3A_169 = vector.multi_reduction <minimumf>, %slice3A, %reduce_min3A_168 [1] : vector<64x64xf32> to vector<64xf32>
    %broadcast_in_dim3A_170 = vector.shape_cast %reduce_min3A_169 : vector<64xf32> to vector<64x1xf32>
    %eq3A_171 = vector.broadcast %broadcast_in_dim3A_170 : vector<64x1xf32> to vector<64x64xf32>
    %eq3A_172 = arith.cmpf oeq, %slice3A, %eq3A_171 : vector<64x64xf32>
    %jit3A_173 = arith.constant 1073741824 : i32
    %broadcast_in_dim3A_174 = vector.broadcast %jit3A_173 : i32 to vector<64x64xi32>
    %select_n3A_175 = arith.select %eq3A_172, %slice3A_167, %broadcast_in_dim3A_174 : vector<64x64xi1>, vector<64x64xi32>
    %reduce_min3A_176 = arith.constant dense<2147483647> : vector<64xi32>
    %reduce_min3A_177 = vector.multi_reduction <minsi>, %select_n3A_175, %reduce_min3A_176 [1] : vector<64x64xi32> to vector<64xi32>
    %broadcast_in_dim3A_178 = vector.shape_cast %reduce_min3A_177 : vector<64xi32> to vector<64x1xi32>
    %slice3A_179 = vector.extract_strided_slice %sub3A_166 {offsets = [0, 64], sizes = [64, 64], strides = [1, 1]} : vector<64x1024xf32> to vector<64x64xf32>
    %slice3A_180 = vector.extract_strided_slice %iota3A {offsets = [0, 64], sizes = [64, 64], strides = [1, 1]} : vector<64x1024xi32> to vector<64x64xi32>
    %reduce_min3A_181 = arith.constant dense<0x7F800000> : vector<64xf32>
    %reduce_min3A_182 = vector.multi_reduction <minimumf>, %slice3A_179, %reduce_min3A_181 [1] : vector<64x64xf32> to vector<64xf32>
    %broadcast_in_dim3A_183 = vector.shape_cast %reduce_min3A_182 : vector<64xf32> to vector<64x1xf32>
    %eq3A_184 = vector.broadcast %broadcast_in_dim3A_183 : vector<64x1xf32> to vector<64x64xf32>
    %eq3A_185 = arith.cmpf oeq, %slice3A_179, %eq3A_184 : vector<64x64xf32>
    %jit3A_186 = arith.constant 1073741824 : i32
    %broadcast_in_dim3A_187 = vector.broadcast %jit3A_186 : i32 to vector<64x64xi32>
    %select_n3A_188 = arith.select %eq3A_185, %slice3A_180, %broadcast_in_dim3A_187 : vector<64x64xi1>, vector<64x64xi32>
    %reduce_min3A_189 = arith.constant dense<2147483647> : vector<64xi32>
    %reduce_min3A_190 = vector.multi_reduction <minsi>, %select_n3A_188, %reduce_min3A_189 [1] : vector<64x64xi32> to vector<64xi32>
    %broadcast_in_dim3A_191 = vector.shape_cast %reduce_min3A_190 : vector<64xi32> to vector<64x1xi32>
    %slice3A_192 = vector.extract_strided_slice %sub3A_166 {offsets = [0, 128], sizes = [64, 64], strides = [1, 1]} : vector<64x1024xf32> to vector<64x64xf32>
    %slice3A_193 = vector.extract_strided_slice %iota3A {offsets = [0, 128], sizes = [64, 64], strides = [1, 1]} : vector<64x1024xi32> to vector<64x64xi32>
    %reduce_min3A_194 = arith.constant dense<0x7F800000> : vector<64xf32>
    %reduce_min3A_195 = vector.multi_reduction <minimumf>, %slice3A_192, %reduce_min3A_194 [1] : vector<64x64xf32> to vector<64xf32>
    %broadcast_in_dim3A_196 = vector.shape_cast %reduce_min3A_195 : vector<64xf32> to vector<64x1xf32>
    %eq3A_197 = vector.broadcast %broadcast_in_dim3A_196 : vector<64x1xf32> to vector<64x64xf32>
    %eq3A_198 = arith.cmpf oeq, %slice3A_192, %eq3A_197 : vector<64x64xf32>
    %jit3A_199 = arith.constant 1073741824 : i32
    %broadcast_in_dim3A_200 = vector.broadcast %jit3A_199 : i32 to vector<64x64xi32>
    %select_n3A_201 = arith.select %eq3A_198, %slice3A_193, %broadcast_in_dim3A_200 : vector<64x64xi1>, vector<64x64xi32>
    %reduce_min3A_202 = arith.constant dense<2147483647> : vector<64xi32>
    %reduce_min3A_203 = vector.multi_reduction <minsi>, %select_n3A_201, %reduce_min3A_202 [1] : vector<64x64xi32> to vector<64xi32>
    %broadcast_in_dim3A_204 = vector.shape_cast %reduce_min3A_203 : vector<64xi32> to vector<64x1xi32>
    %slice3A_205 = vector.extract_strided_slice %sub3A_166 {offsets = [0, 192], sizes = [64, 64], strides = [1, 1]} : vector<64x1024xf32> to vector<64x64xf32>
    %slice3A_206 = vector.extract_strided_slice %iota3A {offsets = [0, 192], sizes = [64, 64], strides = [1, 1]} : vector<64x1024xi32> to vector<64x64xi32>
    %reduce_min3A_207 = arith.constant dense<0x7F800000> : vector<64xf32>
    %reduce_min3A_208 = vector.multi_reduction <minimumf>, %slice3A_205, %reduce_min3A_207 [1] : vector<64x64xf32> to vector<64xf32>
    %broadcast_in_dim3A_209 = vector.shape_cast %reduce_min3A_208 : vector<64xf32> to vector<64x1xf32>
    %eq3A_210 = vector.broadcast %broadcast_in_dim3A_209 : vector<64x1xf32> to vector<64x64xf32>
    %eq3A_211 = arith.cmpf oeq, %slice3A_205, %eq3A_210 : vector<64x64xf32>
    %jit3A_212 = arith.constant 1073741824 : i32
    %broadcast_in_dim3A_213 = vector.broadcast %jit3A_212 : i32 to vector<64x64xi32>
    %select_n3A_214 = arith.select %eq3A_211, %slice3A_206, %broadcast_in_dim3A_213 : vector<64x64xi1>, vector<64x64xi32>
    %reduce_min3A_215 = arith.constant dense<2147483647> : vector<64xi32>
    %reduce_min3A_216 = vector.multi_reduction <minsi>, %select_n3A_214, %reduce_min3A_215 [1] : vector<64x64xi32> to vector<64xi32>
    %broadcast_in_dim3A_217 = vector.shape_cast %reduce_min3A_216 : vector<64xi32> to vector<64x1xi32>
    %slice3A_218 = vector.extract_strided_slice %sub3A_166 {offsets = [0, 256], sizes = [64, 64], strides = [1, 1]} : vector<64x1024xf32> to vector<64x64xf32>
    %slice3A_219 = vector.extract_strided_slice %iota3A {offsets = [0, 256], sizes = [64, 64], strides = [1, 1]} : vector<64x1024xi32> to vector<64x64xi32>
    %reduce_min3A_220 = arith.constant dense<0x7F800000> : vector<64xf32>
    %reduce_min3A_221 = vector.multi_reduction <minimumf>, %slice3A_218, %reduce_min3A_220 [1] : vector<64x64xf32> to vector<64xf32>
    %broadcast_in_dim3A_222 = vector.shape_cast %reduce_min3A_221 : vector<64xf32> to vector<64x1xf32>
    %eq3A_223 = vector.broadcast %broadcast_in_dim3A_222 : vector<64x1xf32> to vector<64x64xf32>
    %eq3A_224 = arith.cmpf oeq, %slice3A_218, %eq3A_223 : vector<64x64xf32>
    %jit3A_225 = arith.constant 1073741824 : i32
    %broadcast_in_dim3A_226 = vector.broadcast %jit3A_225 : i32 to vector<64x64xi32>
    %select_n3A_227 = arith.select %eq3A_224, %slice3A_219, %broadcast_in_dim3A_226 : vector<64x64xi1>, vector<64x64xi32>
    %reduce_min3A_228 = arith.constant dense<2147483647> : vector<64xi32>
    %reduce_min3A_229 = vector.multi_reduction <minsi>, %select_n3A_227, %reduce_min3A_228 [1] : vector<64x64xi32> to vector<64xi32>
    %broadcast_in_dim3A_230 = vector.shape_cast %reduce_min3A_229 : vector<64xi32> to vector<64x1xi32>
    %slice3A_231 = vector.extract_strided_slice %sub3A_166 {offsets = [0, 320], sizes = [64, 64], strides = [1, 1]} : vector<64x1024xf32> to vector<64x64xf32>
    %slice3A_232 = vector.extract_strided_slice %iota3A {offsets = [0, 320], sizes = [64, 64], strides = [1, 1]} : vector<64x1024xi32> to vector<64x64xi32>
    %reduce_min3A_233 = arith.constant dense<0x7F800000> : vector<64xf32>
    %reduce_min3A_234 = vector.multi_reduction <minimumf>, %slice3A_231, %reduce_min3A_233 [1] : vector<64x64xf32> to vector<64xf32>
    %broadcast_in_dim3A_235 = vector.shape_cast %reduce_min3A_234 : vector<64xf32> to vector<64x1xf32>
    %eq3A_236 = vector.broadcast %broadcast_in_dim3A_235 : vector<64x1xf32> to vector<64x64xf32>
    %eq3A_237 = arith.cmpf oeq, %slice3A_231, %eq3A_236 : vector<64x64xf32>
    %jit3A_238 = arith.constant 1073741824 : i32
    %broadcast_in_dim3A_239 = vector.broadcast %jit3A_238 : i32 to vector<64x64xi32>
    %select_n3A_240 = arith.select %eq3A_237, %slice3A_232, %broadcast_in_dim3A_239 : vector<64x64xi1>, vector<64x64xi32>
    %reduce_min3A_241 = arith.constant dense<2147483647> : vector<64xi32>
    %reduce_min3A_242 = vector.multi_reduction <minsi>, %select_n3A_240, %reduce_min3A_241 [1] : vector<64x64xi32> to vector<64xi32>
    %broadcast_in_dim3A_243 = vector.shape_cast %reduce_min3A_242 : vector<64xi32> to vector<64x1xi32>
    %slice3A_244 = vector.extract_strided_slice %sub3A_166 {offsets = [0, 384], sizes = [64, 64], strides = [1, 1]} : vector<64x1024xf32> to vector<64x64xf32>
    %slice3A_245 = vector.extract_strided_slice %iota3A {offsets = [0, 384], sizes = [64, 64], strides = [1, 1]} : vector<64x1024xi32> to vector<64x64xi32>
    %reduce_min3A_246 = arith.constant dense<0x7F800000> : vector<64xf32>
    %reduce_min3A_247 = vector.multi_reduction <minimumf>, %slice3A_244, %reduce_min3A_246 [1] : vector<64x64xf32> to vector<64xf32>
    %broadcast_in_dim3A_248 = vector.shape_cast %reduce_min3A_247 : vector<64xf32> to vector<64x1xf32>
    %eq3A_249 = vector.broadcast %broadcast_in_dim3A_248 : vector<64x1xf32> to vector<64x64xf32>
    %eq3A_250 = arith.cmpf oeq, %slice3A_244, %eq3A_249 : vector<64x64xf32>
    %jit3A_251 = arith.constant 1073741824 : i32
    %broadcast_in_dim3A_252 = vector.broadcast %jit3A_251 : i32 to vector<64x64xi32>
    %select_n3A_253 = arith.select %eq3A_250, %slice3A_245, %broadcast_in_dim3A_252 : vector<64x64xi1>, vector<64x64xi32>
    %reduce_min3A_254 = arith.constant dense<2147483647> : vector<64xi32>
    %reduce_min3A_255 = vector.multi_reduction <minsi>, %select_n3A_253, %reduce_min3A_254 [1] : vector<64x64xi32> to vector<64xi32>
    %broadcast_in_dim3A_256 = vector.shape_cast %reduce_min3A_255 : vector<64xi32> to vector<64x1xi32>
    %slice3A_257 = vector.extract_strided_slice %sub3A_166 {offsets = [0, 448], sizes = [64, 64], strides = [1, 1]} : vector<64x1024xf32> to vector<64x64xf32>
    %slice3A_258 = vector.extract_strided_slice %iota3A {offsets = [0, 448], sizes = [64, 64], strides = [1, 1]} : vector<64x1024xi32> to vector<64x64xi32>
    %reduce_min3A_259 = arith.constant dense<0x7F800000> : vector<64xf32>
    %reduce_min3A_260 = vector.multi_reduction <minimumf>, %slice3A_257, %reduce_min3A_259 [1] : vector<64x64xf32> to vector<64xf32>
    %broadcast_in_dim3A_261 = vector.shape_cast %reduce_min3A_260 : vector<64xf32> to vector<64x1xf32>
    %eq3A_262 = vector.broadcast %broadcast_in_dim3A_261 : vector<64x1xf32> to vector<64x64xf32>
    %eq3A_263 = arith.cmpf oeq, %slice3A_257, %eq3A_262 : vector<64x64xf32>
    %jit3A_264 = arith.constant 1073741824 : i32
    %broadcast_in_dim3A_265 = vector.broadcast %jit3A_264 : i32 to vector<64x64xi32>
    %select_n3A_266 = arith.select %eq3A_263, %slice3A_258, %broadcast_in_dim3A_265 : vector<64x64xi1>, vector<64x64xi32>
    %reduce_min3A_267 = arith.constant dense<2147483647> : vector<64xi32>
    %reduce_min3A_268 = vector.multi_reduction <minsi>, %select_n3A_266, %reduce_min3A_267 [1] : vector<64x64xi32> to vector<64xi32>
    %broadcast_in_dim3A_269 = vector.shape_cast %reduce_min3A_268 : vector<64xi32> to vector<64x1xi32>
    %slice3A_270 = vector.extract_strided_slice %sub3A_166 {offsets = [0, 512], sizes = [64, 64], strides = [1, 1]} : vector<64x1024xf32> to vector<64x64xf32>
    %slice3A_271 = vector.extract_strided_slice %iota3A {offsets = [0, 512], sizes = [64, 64], strides = [1, 1]} : vector<64x1024xi32> to vector<64x64xi32>
    %reduce_min3A_272 = arith.constant dense<0x7F800000> : vector<64xf32>
    %reduce_min3A_273 = vector.multi_reduction <minimumf>, %slice3A_270, %reduce_min3A_272 [1] : vector<64x64xf32> to vector<64xf32>
    %broadcast_in_dim3A_274 = vector.shape_cast %reduce_min3A_273 : vector<64xf32> to vector<64x1xf32>
    %eq3A_275 = vector.broadcast %broadcast_in_dim3A_274 : vector<64x1xf32> to vector<64x64xf32>
    %eq3A_276 = arith.cmpf oeq, %slice3A_270, %eq3A_275 : vector<64x64xf32>
    %jit3A_277 = arith.constant 1073741824 : i32
    %broadcast_in_dim3A_278 = vector.broadcast %jit3A_277 : i32 to vector<64x64xi32>
    %select_n3A_279 = arith.select %eq3A_276, %slice3A_271, %broadcast_in_dim3A_278 : vector<64x64xi1>, vector<64x64xi32>
    %reduce_min3A_280 = arith.constant dense<2147483647> : vector<64xi32>
    %reduce_min3A_281 = vector.multi_reduction <minsi>, %select_n3A_279, %reduce_min3A_280 [1] : vector<64x64xi32> to vector<64xi32>
    %broadcast_in_dim3A_282 = vector.shape_cast %reduce_min3A_281 : vector<64xi32> to vector<64x1xi32>
    %slice3A_283 = vector.extract_strided_slice %sub3A_166 {offsets = [0, 576], sizes = [64, 64], strides = [1, 1]} : vector<64x1024xf32> to vector<64x64xf32>
    %slice3A_284 = vector.extract_strided_slice %iota3A {offsets = [0, 576], sizes = [64, 64], strides = [1, 1]} : vector<64x1024xi32> to vector<64x64xi32>
    %reduce_min3A_285 = arith.constant dense<0x7F800000> : vector<64xf32>
    %reduce_min3A_286 = vector.multi_reduction <minimumf>, %slice3A_283, %reduce_min3A_285 [1] : vector<64x64xf32> to vector<64xf32>
    %broadcast_in_dim3A_287 = vector.shape_cast %reduce_min3A_286 : vector<64xf32> to vector<64x1xf32>
    %eq3A_288 = vector.broadcast %broadcast_in_dim3A_287 : vector<64x1xf32> to vector<64x64xf32>
    %eq3A_289 = arith.cmpf oeq, %slice3A_283, %eq3A_288 : vector<64x64xf32>
    %jit3A_290 = arith.constant 1073741824 : i32
    %broadcast_in_dim3A_291 = vector.broadcast %jit3A_290 : i32 to vector<64x64xi32>
    %select_n3A_292 = arith.select %eq3A_289, %slice3A_284, %broadcast_in_dim3A_291 : vector<64x64xi1>, vector<64x64xi32>
    %reduce_min3A_293 = arith.constant dense<2147483647> : vector<64xi32>
    %reduce_min3A_294 = vector.multi_reduction <minsi>, %select_n3A_292, %reduce_min3A_293 [1] : vector<64x64xi32> to vector<64xi32>
    %broadcast_in_dim3A_295 = vector.shape_cast %reduce_min3A_294 : vector<64xi32> to vector<64x1xi32>
    %slice3A_296 = vector.extract_strided_slice %sub3A_166 {offsets = [0, 640], sizes = [64, 64], strides = [1, 1]} : vector<64x1024xf32> to vector<64x64xf32>
    %slice3A_297 = vector.extract_strided_slice %iota3A {offsets = [0, 640], sizes = [64, 64], strides = [1, 1]} : vector<64x1024xi32> to vector<64x64xi32>
    %reduce_min3A_298 = arith.constant dense<0x7F800000> : vector<64xf32>
    %reduce_min3A_299 = vector.multi_reduction <minimumf>, %slice3A_296, %reduce_min3A_298 [1] : vector<64x64xf32> to vector<64xf32>
    %broadcast_in_dim3A_300 = vector.shape_cast %reduce_min3A_299 : vector<64xf32> to vector<64x1xf32>
    %eq3A_301 = vector.broadcast %broadcast_in_dim3A_300 : vector<64x1xf32> to vector<64x64xf32>
    %eq3A_302 = arith.cmpf oeq, %slice3A_296, %eq3A_301 : vector<64x64xf32>
    %jit3A_303 = arith.constant 1073741824 : i32
    %broadcast_in_dim3A_304 = vector.broadcast %jit3A_303 : i32 to vector<64x64xi32>
    %select_n3A_305 = arith.select %eq3A_302, %slice3A_297, %broadcast_in_dim3A_304 : vector<64x64xi1>, vector<64x64xi32>
    %reduce_min3A_306 = arith.constant dense<2147483647> : vector<64xi32>
    %reduce_min3A_307 = vector.multi_reduction <minsi>, %select_n3A_305, %reduce_min3A_306 [1] : vector<64x64xi32> to vector<64xi32>
    %broadcast_in_dim3A_308 = vector.shape_cast %reduce_min3A_307 : vector<64xi32> to vector<64x1xi32>
    %slice3A_309 = vector.extract_strided_slice %sub3A_166 {offsets = [0, 704], sizes = [64, 64], strides = [1, 1]} : vector<64x1024xf32> to vector<64x64xf32>
    %slice3A_310 = vector.extract_strided_slice %iota3A {offsets = [0, 704], sizes = [64, 64], strides = [1, 1]} : vector<64x1024xi32> to vector<64x64xi32>
    %reduce_min3A_311 = arith.constant dense<0x7F800000> : vector<64xf32>
    %reduce_min3A_312 = vector.multi_reduction <minimumf>, %slice3A_309, %reduce_min3A_311 [1] : vector<64x64xf32> to vector<64xf32>
    %broadcast_in_dim3A_313 = vector.shape_cast %reduce_min3A_312 : vector<64xf32> to vector<64x1xf32>
    %eq3A_314 = vector.broadcast %broadcast_in_dim3A_313 : vector<64x1xf32> to vector<64x64xf32>
    %eq3A_315 = arith.cmpf oeq, %slice3A_309, %eq3A_314 : vector<64x64xf32>
    %jit3A_316 = arith.constant 1073741824 : i32
    %broadcast_in_dim3A_317 = vector.broadcast %jit3A_316 : i32 to vector<64x64xi32>
    %select_n3A_318 = arith.select %eq3A_315, %slice3A_310, %broadcast_in_dim3A_317 : vector<64x64xi1>, vector<64x64xi32>
    %reduce_min3A_319 = arith.constant dense<2147483647> : vector<64xi32>
    %reduce_min3A_320 = vector.multi_reduction <minsi>, %select_n3A_318, %reduce_min3A_319 [1] : vector<64x64xi32> to vector<64xi32>
    %broadcast_in_dim3A_321 = vector.shape_cast %reduce_min3A_320 : vector<64xi32> to vector<64x1xi32>
    %slice3A_322 = vector.extract_strided_slice %sub3A_166 {offsets = [0, 768], sizes = [64, 64], strides = [1, 1]} : vector<64x1024xf32> to vector<64x64xf32>
    %slice3A_323 = vector.extract_strided_slice %iota3A {offsets = [0, 768], sizes = [64, 64], strides = [1, 1]} : vector<64x1024xi32> to vector<64x64xi32>
    %reduce_min3A_324 = arith.constant dense<0x7F800000> : vector<64xf32>
    %reduce_min3A_325 = vector.multi_reduction <minimumf>, %slice3A_322, %reduce_min3A_324 [1] : vector<64x64xf32> to vector<64xf32>
    %broadcast_in_dim3A_326 = vector.shape_cast %reduce_min3A_325 : vector<64xf32> to vector<64x1xf32>
    %eq3A_327 = vector.broadcast %broadcast_in_dim3A_326 : vector<64x1xf32> to vector<64x64xf32>
    %eq3A_328 = arith.cmpf oeq, %slice3A_322, %eq3A_327 : vector<64x64xf32>
    %jit3A_329 = arith.constant 1073741824 : i32
    %broadcast_in_dim3A_330 = vector.broadcast %jit3A_329 : i32 to vector<64x64xi32>
    %select_n3A_331 = arith.select %eq3A_328, %slice3A_323, %broadcast_in_dim3A_330 : vector<64x64xi1>, vector<64x64xi32>
    %reduce_min3A_332 = arith.constant dense<2147483647> : vector<64xi32>
    %reduce_min3A_333 = vector.multi_reduction <minsi>, %select_n3A_331, %reduce_min3A_332 [1] : vector<64x64xi32> to vector<64xi32>
    %broadcast_in_dim3A_334 = vector.shape_cast %reduce_min3A_333 : vector<64xi32> to vector<64x1xi32>
    %slice3A_335 = vector.extract_strided_slice %sub3A_166 {offsets = [0, 832], sizes = [64, 64], strides = [1, 1]} : vector<64x1024xf32> to vector<64x64xf32>
    %slice3A_336 = vector.extract_strided_slice %iota3A {offsets = [0, 832], sizes = [64, 64], strides = [1, 1]} : vector<64x1024xi32> to vector<64x64xi32>
    %reduce_min3A_337 = arith.constant dense<0x7F800000> : vector<64xf32>
    %reduce_min3A_338 = vector.multi_reduction <minimumf>, %slice3A_335, %reduce_min3A_337 [1] : vector<64x64xf32> to vector<64xf32>
    %broadcast_in_dim3A_339 = vector.shape_cast %reduce_min3A_338 : vector<64xf32> to vector<64x1xf32>
    %eq3A_340 = vector.broadcast %broadcast_in_dim3A_339 : vector<64x1xf32> to vector<64x64xf32>
    %eq3A_341 = arith.cmpf oeq, %slice3A_335, %eq3A_340 : vector<64x64xf32>
    %jit3A_342 = arith.constant 1073741824 : i32
    %broadcast_in_dim3A_343 = vector.broadcast %jit3A_342 : i32 to vector<64x64xi32>
    %select_n3A_344 = arith.select %eq3A_341, %slice3A_336, %broadcast_in_dim3A_343 : vector<64x64xi1>, vector<64x64xi32>
    %reduce_min3A_345 = arith.constant dense<2147483647> : vector<64xi32>
    %reduce_min3A_346 = vector.multi_reduction <minsi>, %select_n3A_344, %reduce_min3A_345 [1] : vector<64x64xi32> to vector<64xi32>
    %broadcast_in_dim3A_347 = vector.shape_cast %reduce_min3A_346 : vector<64xi32> to vector<64x1xi32>
    %slice3A_348 = vector.extract_strided_slice %sub3A_166 {offsets = [0, 896], sizes = [64, 64], strides = [1, 1]} : vector<64x1024xf32> to vector<64x64xf32>
    %slice3A_349 = vector.extract_strided_slice %iota3A {offsets = [0, 896], sizes = [64, 64], strides = [1, 1]} : vector<64x1024xi32> to vector<64x64xi32>
    %reduce_min3A_350 = arith.constant dense<0x7F800000> : vector<64xf32>
    %reduce_min3A_351 = vector.multi_reduction <minimumf>, %slice3A_348, %reduce_min3A_350 [1] : vector<64x64xf32> to vector<64xf32>
    %broadcast_in_dim3A_352 = vector.shape_cast %reduce_min3A_351 : vector<64xf32> to vector<64x1xf32>
    %eq3A_353 = vector.broadcast %broadcast_in_dim3A_352 : vector<64x1xf32> to vector<64x64xf32>
    %eq3A_354 = arith.cmpf oeq, %slice3A_348, %eq3A_353 : vector<64x64xf32>
    %jit3A_355 = arith.constant 1073741824 : i32
    %broadcast_in_dim3A_356 = vector.broadcast %jit3A_355 : i32 to vector<64x64xi32>
    %select_n3A_357 = arith.select %eq3A_354, %slice3A_349, %broadcast_in_dim3A_356 : vector<64x64xi1>, vector<64x64xi32>
    %reduce_min3A_358 = arith.constant dense<2147483647> : vector<64xi32>
    %reduce_min3A_359 = vector.multi_reduction <minsi>, %select_n3A_357, %reduce_min3A_358 [1] : vector<64x64xi32> to vector<64xi32>
    %broadcast_in_dim3A_360 = vector.shape_cast %reduce_min3A_359 : vector<64xi32> to vector<64x1xi32>
    %slice3A_361 = vector.extract_strided_slice %sub3A_166 {offsets = [0, 960], sizes = [64, 64], strides = [1, 1]} : vector<64x1024xf32> to vector<64x64xf32>
    %slice3A_362 = vector.extract_strided_slice %iota3A {offsets = [0, 960], sizes = [64, 64], strides = [1, 1]} : vector<64x1024xi32> to vector<64x64xi32>
    %reduce_min3A_363 = arith.constant dense<0x7F800000> : vector<64xf32>
    %reduce_min3A_364 = vector.multi_reduction <minimumf>, %slice3A_361, %reduce_min3A_363 [1] : vector<64x64xf32> to vector<64xf32>
    %broadcast_in_dim3A_365 = vector.shape_cast %reduce_min3A_364 : vector<64xf32> to vector<64x1xf32>
    %eq3A_366 = vector.broadcast %broadcast_in_dim3A_365 : vector<64x1xf32> to vector<64x64xf32>
    %eq3A_367 = arith.cmpf oeq, %slice3A_361, %eq3A_366 : vector<64x64xf32>
    %jit3A_368 = arith.constant 1073741824 : i32
    %broadcast_in_dim3A_369 = vector.broadcast %jit3A_368 : i32 to vector<64x64xi32>
    %select_n3A_370 = arith.select %eq3A_367, %slice3A_362, %broadcast_in_dim3A_369 : vector<64x64xi1>, vector<64x64xi32>
    %reduce_min3A_371 = arith.constant dense<2147483647> : vector<64xi32>
    %reduce_min3A_372 = vector.multi_reduction <minsi>, %select_n3A_370, %reduce_min3A_371 [1] : vector<64x64xi32> to vector<64xi32>
    %broadcast_in_dim3A_373 = vector.shape_cast %reduce_min3A_372 : vector<64xi32> to vector<64x1xi32>
    %concatenate3A = tpu.concatenate %broadcast_in_dim3A_170, %broadcast_in_dim3A_183, %broadcast_in_dim3A_196, %broadcast_in_dim3A_209, %broadcast_in_dim3A_222, %broadcast_in_dim3A_235, %broadcast_in_dim3A_248, %broadcast_in_dim3A_261, %broadcast_in_dim3A_274, %broadcast_in_dim3A_287, %broadcast_in_dim3A_300, %broadcast_in_dim3A_313, %broadcast_in_dim3A_326, %broadcast_in_dim3A_339, %broadcast_in_dim3A_352, %broadcast_in_dim3A_365 in 1 : vector<64x1xf32>, vector<64x1xf32>, vector<64x1xf32>, vector<64x1xf32>, vector<64x1xf32>, vector<64x1xf32>, vector<64x1xf32>, vector<64x1xf32>, vector<64x1xf32>, vector<64x1xf32>, vector<64x1xf32>, vector<64x1xf32>, vector<64x1xf32>, vector<64x1xf32>, vector<64x1xf32>, vector<64x1xf32> -> vector<64x16xf32>
    %transpose3A = tpu.transpose %concatenate3A, [1, 0] : vector<64x16xf32> -> vector<16x64xf32>
    %swap3A = arith.constant 0 : index
    %swap3A_374 = arith.constant 0 : index
    %swap3A_375 = arith.constant 0 : index
    %swap3A_376 = vector.load %arg3[%swap3A, %swap3A_374, %swap3A_375] : memref<1x16x64xf32, #tpu.memory_space<vmem>>, vector<1x16x64xf32>
    %swap3A_377 = vector.shape_cast %swap3A_376 : vector<1x16x64xf32> to vector<16x64xf32>
    %swap3A_378 = vector.shape_cast %transpose3A : vector<16x64xf32> to vector<1x16x64xf32>
    tpu.vector_store %arg3[%swap3A, %swap3A_374, %swap3A_375], %swap3A_378 {strides = array<i32>} : memref<1x16x64xf32, #tpu.memory_space<vmem>>, vector<1x16x64xf32>,
    %concatenate3A_379 = tpu.concatenate %broadcast_in_dim3A_178, %broadcast_in_dim3A_191, %broadcast_in_dim3A_204, %broadcast_in_dim3A_217, %broadcast_in_dim3A_230, %broadcast_in_dim3A_243, %broadcast_in_dim3A_256, %broadcast_in_dim3A_269, %broadcast_in_dim3A_282, %broadcast_in_dim3A_295, %broadcast_in_dim3A_308, %broadcast_in_dim3A_321, %broadcast_in_dim3A_334, %broadcast_in_dim3A_347, %broadcast_in_dim3A_360, %broadcast_in_dim3A_373 in 1 : vector<64x1xi32>, vector<64x1xi32>, vector<64x1xi32>, vector<64x1xi32>, vector<64x1xi32>, vector<64x1xi32>, vector<64x1xi32>, vector<64x1xi32>, vector<64x1xi32>, vector<64x1xi32>, vector<64x1xi32>, vector<64x1xi32>, vector<64x1xi32>, vector<64x1xi32>, vector<64x1xi32>, vector<64x1xi32> -> vector<64x16xi32>
    %transpose3A_380 = tpu.transpose %concatenate3A_379, [1, 0] : vector<64x16xi32> -> vector<16x64xi32>
    %swap3A_381 = arith.constant 0 : index
    %swap3A_382 = arith.constant 0 : index
    %swap3A_383 = arith.constant 0 : index
    %swap3A_384 = vector.load %arg4[%swap3A_381, %swap3A_382, %swap3A_383] : memref<1x16x64xi32, #tpu.memory_space<vmem>>, vector<1x16x64xi32>
    %swap3A_385 = vector.shape_cast %swap3A_384 : vector<1x16x64xi32> to vector<16x64xi32>
    %swap3A_386 = vector.shape_cast %transpose3A_380 : vector<16x64xi32> to vector<1x16x64xi32>
    tpu.vector_store %arg4[%swap3A_381, %swap3A_382, %swap3A_383], %swap3A_386 {strides = array<i32>} : memref<1x16x64xi32, #tpu.memory_space<vmem>>, vector<1x16x64xi32>,
    %swap3A_387 = arith.constant 0 : index
    %swap3A_388 = arith.constant 0 : index
    %swap3A_389 = arith.constant 0 : index
    %swap3A_390 = vector.load %arg5[%swap3A_387, %swap3A_388, %swap3A_389] : memref<1x1x64xi32, #tpu.memory_space<vmem>>, vector<1x1x64xi32>
    %swap3A_391 = vector.shape_cast %swap3A_390 : vector<1x1x64xi32> to vector<64xi32>
    %swap3A_392 = vector.shape_cast %reduce_min3A_132 : vector<64xi32> to vector<1x1x64xi32>
    tpu.vector_store %arg5[%swap3A_387, %swap3A_388, %swap3A_389], %swap3A_392 {strides = array<i32>} : memref<1x1x64xi32, #tpu.memory_space<vmem>>, vector<1x1x64xi32>,
    return
  }
  func.func @transform_0(%arg0: i32) -> (i32, i32, i32) {
    %c0_i32 = arith.constant 0 : i32
    %c0_i32_0 = arith.constant 0 : i32
    %c0_i32_1 = arith.constant 0 : i32
    return %arg0, %c0_i32, %c0_i32_0 : i32, i32, i32
  }
  func.func @transform_1(%arg0: i32) -> (i32, i32, i32) {
    %c0_i32 = arith.constant 0 : i32
    %c0_i32_0 = arith.constant 0 : i32
    %c0_i32_1 = arith.constant 0 : i32
    return %arg0, %c0_i32, %c0_i32_0 : i32, i32, i32
  }
  func.func @transform_2(%arg0: i32) -> (i32, i32, i32) {
    %c0_i32 = arith.constant 0 : i32
    %c0_i32_0 = arith.constant 0 : i32
    %c0_i32_1 = arith.constant 0 : i32
    return %arg0, %c0_i32, %c0_i32_0 : i32, i32, i32
  }
  func.func @transform_3(%arg0: i32) -> (i32, i32, i32) {
    %c0_i32 = arith.constant 0 : i32
    %c0_i32_0 = arith.constant 0 : i32
    %c0_i32_1 = arith.constant 0 : i32
    return %arg0, %c0_i32, %c0_i32_0 : i32, i32, i32
  }
  func.func @transform_4(%arg0: i32) -> (i32, i32, i32) {
    %c0_i32 = arith.constant 0 : i32
    %c0_i32_0 = arith.constant 0 : i32
    %c0_i32_1 = arith.constant 0 : i32
    return %arg0, %c0_i32, %c0_i32_0 : i32, i32, i32
  }
}

module attributes {stable_mosaic.version = 14 : i64} {
  func.func @_mlp_body(%arg0: i32, %arg1: memref<8x64xf32, #tpu.memory_space<vmem>>, %arg2: memref<8x64xf32, #tpu.memory_space<vmem>>, %arg3: memref<32x64xf32, #tpu.memory_space<vmem>>, %arg4: memref<1x32xf32, #tpu.memory_space<vmem>>, %arg5: memref<1x32xf32, #tpu.memory_space<vmem>>, %arg6: memref<1x1xf32, #tpu.memory_space<smem>>, %arg7: memref<32x64xf32, #tpu.memory_space<vmem>>, %arg8: memref<1x32xf32, #tpu.memory_space<vmem>>, %arg9: memref<1x32xf32, #tpu.memory_space<vmem>>, %arg10: memref<1x1xf32, #tpu.memory_space<smem>>, %arg11: memref<8x2xf32, #tpu.memory_space<vmem>>) attributes {dimension_semantics = [#tpu.dimension_semantics<arbitrary>], iteration_bounds = array<i64: 1>, scalar_prefetch = 0 : i64, scratch_operands = 0 : i64, tpu.core_type = #tpu.core_type<tc>, window_params = [{pipeline_mode = #tpu.pipeline_mode<synchronous>, transform_indices = @transform_0, window_bounds = array<i64: 8, 64>}, {pipeline_mode = #tpu.pipeline_mode<synchronous>, transform_indices = @transform_1, window_bounds = array<i64: 8, 64>}, {pipeline_mode = #tpu.pipeline_mode<synchronous>, transform_indices = @transform_2, window_bounds = array<i64: 32, 64>}, {pipeline_mode = #tpu.pipeline_mode<synchronous>, transform_indices = @transform_3, window_bounds = array<i64: 1, 32>}, {pipeline_mode = #tpu.pipeline_mode<synchronous>, transform_indices = @transform_4, window_bounds = array<i64: 1, 32>}, {transform_indices = @transform_5, window_bounds = array<i64: 1, 1>}, {pipeline_mode = #tpu.pipeline_mode<synchronous>, transform_indices = @transform_6, window_bounds = array<i64: 32, 64>}, {pipeline_mode = #tpu.pipeline_mode<synchronous>, transform_indices = @transform_7, window_bounds = array<i64: 1, 32>}, {pipeline_mode = #tpu.pipeline_mode<synchronous>, transform_indices = @transform_8, window_bounds = array<i64: 1, 32>}, {transform_indices = @transform_9, window_bounds = array<i64: 1, 1>}, {pipeline_mode = #tpu.pipeline_mode<synchronous>, transform_indices = @transform_10, window_bounds = array<i64: 8, 2>}]} {
    %get3A = arith.constant 0 : index
    %get3A_0 = arith.constant 0 : index
    %get3A_1 = vector.load %arg1[%get3A, %get3A_0] : memref<8x64xf32, #tpu.memory_space<vmem>>, vector<8x64xf32>
    %get3A_2 = arith.constant 0 : index
    %get3A_3 = arith.constant 0 : index
    %get3A_4 = vector.load %arg2[%get3A_2, %get3A_3] : memref<8x64xf32, #tpu.memory_space<vmem>>, vector<8x64xf32>
    %get3A_5 = arith.constant 0 : index
    %get3A_6 = arith.constant 0 : index
    %get3A_7 = vector.load %arg3[%get3A_5, %get3A_6] : memref<32x64xf32, #tpu.memory_space<vmem>>, vector<32x64xf32>
    %dot_general3A = arith.constant dense<0.000000e+00> : vector<8x32xf32>
    %dot_general3A_8 = tpu.matmul %get3A_1, %get3A_7, %dot_general3A {dimension_numbers = #tpu.dot_dimension_numbers<[1], [1], [0], [0], [0, 0, 1, 0], [], []>, transpose_lhs_hint = false} : vector<8x64xf32>, vector<32x64xf32>, vector<8x32xf32> -> vector<8x32xf32>
    %get3A_9 = arith.constant 0 : index
    %get3A_10 = arith.constant 0 : index
    %get3A_11 = vector.load %arg4[%get3A_9, %get3A_10] : memref<1x32xf32, #tpu.memory_space<vmem>>, vector<1x32xf32>
    %add3A = vector.broadcast %get3A_11 : vector<1x32xf32> to vector<8x32xf32>
    %add3A_12 = arith.addf %dot_general3A_8, %add3A : vector<8x32xf32>
    %max3A = arith.constant 0.000000e+00 : f32
    %max3A_13 = vector.broadcast %max3A : f32 to vector<8x32xf32>
    %max3A_14 = arith.maximumf %add3A_12, %max3A_13 : vector<8x32xf32>
    %get3A_15 = arith.constant 0 : index
    %get3A_16 = arith.constant 0 : index
    %get3A_17 = vector.load %arg5[%get3A_15, %get3A_16] : memref<1x32xf32, #tpu.memory_space<vmem>>, vector<1x32xf32>
    %convert_element_type3A = arith.truncf %get3A_17 : vector<1x32xf32> to vector<1x32xbf16>
    %convert_element_type3A_18 = arith.extf %convert_element_type3A : vector<1x32xbf16> to vector<1x32xf32>
    %convert_element_type3A_19 = arith.truncf %max3A_14 : vector<8x32xf32> to vector<8x32xbf16>
    %convert_element_type3A_20 = arith.extf %convert_element_type3A_19 : vector<8x32xbf16> to vector<8x32xf32>
    %mul3A = vector.broadcast %convert_element_type3A_18 : vector<1x32xf32> to vector<8x32xf32>
    %mul3A_21 = arith.mulf %convert_element_type3A_20, %mul3A : vector<8x32xf32>
    %reduce_sum3A = arith.constant dense<0.000000e+00> : vector<8xf32>
    %reduce_sum3A_22 = vector.multi_reduction <add>, %mul3A_21, %reduce_sum3A [1] : vector<8x32xf32> to vector<8xf32>
    %broadcast_in_dim3A = vector.shape_cast %reduce_sum3A_22 : vector<8xf32> to vector<8x1xf32>
    %get3A_23 = arith.constant 0 : index
    %get3A_24 = arith.constant 0 : index
    %get3A_25 = memref.load %arg6[%get3A_23, %get3A_24] : memref<1x1xf32, #tpu.memory_space<smem>>
    %add3A_26 = vector.broadcast %get3A_25 : f32 to vector<8x1xf32>
    %add3A_27 = arith.addf %broadcast_in_dim3A, %add3A_26 : vector<8x1xf32>
    %get3A_28 = arith.constant 0 : index
    %get3A_29 = arith.constant 0 : index
    %get3A_30 = vector.load %arg7[%get3A_28, %get3A_29] : memref<32x64xf32, #tpu.memory_space<vmem>>, vector<32x64xf32>
    %dot_general3A_31 = arith.constant dense<0.000000e+00> : vector<8x32xf32>
    %dot_general3A_32 = tpu.matmul %get3A_4, %get3A_30, %dot_general3A_31 {dimension_numbers = #tpu.dot_dimension_numbers<[1], [1], [0], [0], [0, 0, 1, 0], [], []>, transpose_lhs_hint = false} : vector<8x64xf32>, vector<32x64xf32>, vector<8x32xf32> -> vector<8x32xf32>
    %get3A_33 = arith.constant 0 : index
    %get3A_34 = arith.constant 0 : index
    %get3A_35 = vector.load %arg8[%get3A_33, %get3A_34] : memref<1x32xf32, #tpu.memory_space<vmem>>, vector<1x32xf32>
    %add3A_36 = vector.broadcast %get3A_35 : vector<1x32xf32> to vector<8x32xf32>
    %add3A_37 = arith.addf %dot_general3A_32, %add3A_36 : vector<8x32xf32>
    %max3A_38 = arith.constant 0.000000e+00 : f32
    %max3A_39 = vector.broadcast %max3A_38 : f32 to vector<8x32xf32>
    %max3A_40 = arith.maximumf %add3A_37, %max3A_39 : vector<8x32xf32>
    %get3A_41 = arith.constant 0 : index
    %get3A_42 = arith.constant 0 : index
    %get3A_43 = vector.load %arg9[%get3A_41, %get3A_42] : memref<1x32xf32, #tpu.memory_space<vmem>>, vector<1x32xf32>
    %convert_element_type3A_44 = arith.truncf %get3A_43 : vector<1x32xf32> to vector<1x32xbf16>
    %convert_element_type3A_45 = arith.extf %convert_element_type3A_44 : vector<1x32xbf16> to vector<1x32xf32>
    %convert_element_type3A_46 = arith.truncf %max3A_40 : vector<8x32xf32> to vector<8x32xbf16>
    %convert_element_type3A_47 = arith.extf %convert_element_type3A_46 : vector<8x32xbf16> to vector<8x32xf32>
    %mul3A_48 = vector.broadcast %convert_element_type3A_45 : vector<1x32xf32> to vector<8x32xf32>
    %mul3A_49 = arith.mulf %convert_element_type3A_47, %mul3A_48 : vector<8x32xf32>
    %reduce_sum3A_50 = arith.constant dense<0.000000e+00> : vector<8xf32>
    %reduce_sum3A_51 = vector.multi_reduction <add>, %mul3A_49, %reduce_sum3A_50 [1] : vector<8x32xf32> to vector<8xf32>
    %broadcast_in_dim3A_52 = vector.shape_cast %reduce_sum3A_51 : vector<8xf32> to vector<8x1xf32>
    %get3A_53 = arith.constant 0 : index
    %get3A_54 = arith.constant 0 : index
    %get3A_55 = memref.load %arg10[%get3A_53, %get3A_54] : memref<1x1xf32, #tpu.memory_space<smem>>
    %add3A_56 = vector.broadcast %get3A_55 : f32 to vector<8x1xf32>
    %add3A_57 = arith.addf %broadcast_in_dim3A_52, %add3A_56 : vector<8x1xf32>
    %concatenate3A = tpu.concatenate %add3A_27, %add3A_57 in 1 : vector<8x1xf32>, vector<8x1xf32> -> vector<8x2xf32>
    %swap3A = arith.constant 0 : index
    %swap3A_58 = arith.constant 0 : index
    %swap3A_59 = vector.load %arg11[%swap3A, %swap3A_58] : memref<8x2xf32, #tpu.memory_space<vmem>>, vector<8x2xf32>
    tpu.vector_store %arg11[%swap3A, %swap3A_58], %concatenate3A {strides = array<i32>} : memref<8x2xf32, #tpu.memory_space<vmem>>, vector<8x2xf32>,
    return
  }
  func.func @transform_0(%arg0: i32) -> (i32, i32) {
    %c0_i32 = arith.constant 0 : i32
    %c0_i32_0 = arith.constant 0 : i32
    %c0_i32_1 = arith.constant 0 : i32
    return %c0_i32, %c0_i32_0 : i32, i32
  }
  func.func @transform_1(%arg0: i32) -> (i32, i32) {
    %c0_i32 = arith.constant 0 : i32
    %c0_i32_0 = arith.constant 0 : i32
    %c0_i32_1 = arith.constant 0 : i32
    return %c0_i32, %c0_i32_0 : i32, i32
  }
  func.func @transform_2(%arg0: i32) -> (i32, i32) {
    %c0_i32 = arith.constant 0 : i32
    %c0_i32_0 = arith.constant 0 : i32
    %c0_i32_1 = arith.constant 0 : i32
    return %c0_i32, %c0_i32_0 : i32, i32
  }
  func.func @transform_3(%arg0: i32) -> (i32, i32) {
    %c0_i32 = arith.constant 0 : i32
    %c0_i32_0 = arith.constant 0 : i32
    %c0_i32_1 = arith.constant 0 : i32
    return %c0_i32, %c0_i32_0 : i32, i32
  }
  func.func @transform_4(%arg0: i32) -> (i32, i32) {
    %c0_i32 = arith.constant 0 : i32
    %c0_i32_0 = arith.constant 0 : i32
    %c0_i32_1 = arith.constant 0 : i32
    return %c0_i32, %c0_i32_0 : i32, i32
  }
  func.func @transform_5(%arg0: i32) -> (i32, i32) {
    %c0_i32 = arith.constant 0 : i32
    %c0_i32_0 = arith.constant 0 : i32
    %c0_i32_1 = arith.constant 0 : i32
    return %c0_i32, %c0_i32_0 : i32, i32
  }
  func.func @transform_6(%arg0: i32) -> (i32, i32) {
    %c0_i32 = arith.constant 0 : i32
    %c0_i32_0 = arith.constant 0 : i32
    %c0_i32_1 = arith.constant 0 : i32
    return %c0_i32, %c0_i32_0 : i32, i32
  }
  func.func @transform_7(%arg0: i32) -> (i32, i32) {
    %c0_i32 = arith.constant 0 : i32
    %c0_i32_0 = arith.constant 0 : i32
    %c0_i32_1 = arith.constant 0 : i32
    return %c0_i32, %c0_i32_0 : i32, i32
  }
  func.func @transform_8(%arg0: i32) -> (i32, i32) {
    %c0_i32 = arith.constant 0 : i32
    %c0_i32_0 = arith.constant 0 : i32
    %c0_i32_1 = arith.constant 0 : i32
    return %c0_i32, %c0_i32_0 : i32, i32
  }
  func.func @transform_9(%arg0: i32) -> (i32, i32) {
    %c0_i32 = arith.constant 0 : i32
    %c0_i32_0 = arith.constant 0 : i32
    %c0_i32_1 = arith.constant 0 : i32
    return %c0_i32, %c0_i32_0 : i32, i32
  }
  func.func @transform_10(%arg0: i32) -> (i32, i32) {
    %c0_i32 = arith.constant 0 : i32
    %c0_i32_0 = arith.constant 0 : i32
    %c0_i32_1 = arith.constant 0 : i32
    return %c0_i32, %c0_i32_0 : i32, i32
  }
}

</mosaic_0001>

<sc_bundles>
// kernel: kernel.5.cloned.1.call-start
scs
__scs_entry_jumppad:
0x0: {  	(pc) =	sbr.rel $0x88, $3  }
0x1: {  	(tag) =	ssettag $0x0;
	lr =	simm.s32 $0x1  }
0x2: {  	[smem:$0x3F97] =	sst lr;
	_ =	strace $0xD0000000  }
0x3: {  	_ = 	snop  }
0x4: {  	_ = 	snop  }
0x5: {  	_ = 	snop  }
0x6: {  	_ = 	snop  }
0x7: {  	_ = 	snop  }
__scs_overlays_trampoline_lowered:
0x8: {  	[smem:$0x3FA6] =	sst s0  }
0x9: {  	[smem:$0x3FA7] =	sst s1  }
0xa: {  	[smem:$0x3FA8] =	sst s2  }
0xb: {  	[smem:$0x3FA9] =	sst s3  }
0xc: {  	[smem:$0x3FAA] =	sst s4  }
0xd: {  	[smem:$0x3FAB] =	sst s5  }
0xe: {  	[smem:$0x3FAC] =	sst s6  }
0xf: {  	[smem:$0x3FAD] =	sst s7  }
0x10: {  	[smem:$0x3FAE] =	sst s8  }
0x11: {  	[smem:$0x3FAF] =	sst s9;
	s0 =	simm.s32 @!p0 $0x0  }
0x12: {  	s1 =	sld [smem:$0x3F95];
	s0 =	simm.s32 @p0 $0x1  }
0x13: {  	[smem:$0x3FB0] =	sst s0;
	s0 =	simm.s32 @!p1 $0x0  }
0x14: {  	s2 =	sld [smem:$0x3F94];
	s0 =	simm.s32 @p1 $0x1  }
0x15: {  	[smem:$0x3FB1] =	sst s0;
	s0 =	simm.s32 @!p2 $0x0  }
0x16: {  	s3 =	sld [smem:$0x3FDB];
	s0 =	simm.s32 @p2 $0x1  }
0x17: {  	s4 =	simm.s32 $0x1BF5;
	[smem:$0x3FB3] =	sst s0  }
0x18: {  	s0 =	sld [smem:$0x3F96];
	_ =	swait.ge [sflag:s4], $0x0  }
0x19: {  	s7 =	sld [smem:$0x3F97]  }
0x1a: {  	s8 =	sadd.s32 $0xFFFFE003, lr  }
0x1b: {  	s9 =	sadd.s32 $0xFFFFFEF7, lr;
	s5 =	simm.s32 $0xFFFFFFFF;
	p2 =	slt.u32 s8, $0xFFFFF086  }
0x1c: {  	p1 =	slt.u32 s9, $0xF7A;
	s5 =	simm.s32 @!p2 $0x0  }
0x1d: {  	s5 =	simm.s32 @p1 $0x1;
	p0 =	seq.s32 s7, s2  }
0x1e: {  	s7 =	smul.u32 @!p0 $0xF7A, s2;
	p2 =	seq.s32 @!p0 s5, $0x0  }
0x1f: {  	s9 =	smul.u32 $0xF7A, s1;
	s8 =	simm.s32 @!p0 $0x1BF5;
	p2 =	por !p2, p0  }
0x20: {  	[sflag:s8] =	ssyncset.s32 @!p0 $0xFFFFF086;
	s6 =	sadd.s32 @!p0 s3, s7;
	s7 =	simm.s32 @!p0 $0x108  }
0x21: {  	s3 =	sadd.s32 s3, s9;
	s6 =	sadd.s32 @!p0 $0x88, s6;
	s7 =	simm.s32 @p2 $0x1082  }
0x22: {  	[simem:s7], [sflag:s8] =	dma.local @!p0 [hbm:s6], $0xF7A  }
0x23: {  	s9 =	sor.u32 $0xD0000000, s2;
	s6 =	simm.s32 $0x108;
	_ =	swait.ge @!p0 [sflag:s8], $0x0  }
0x24: {  	s3 =	sadd.s32 $0x88, s3;
	s6 =	simm.s32 @!p1 $0x1082;
	[sflag:s4] =	ssyncset.s32 $0xFFFFF086  }
0x25: {  	[simem:s6], [sflag:s4] =	dma.local [hbm:s3], $0xF7A  }
0x26: {  	[smem:$0x3F97] =	sst s1;
	(tag) =	ssettag s2;
	_ =	strace s9  }
0x27: {  	s1 =	sld [smem:$0x3FA7]  }
0x28: {  	s2 =	sld [smem:$0x3FA8]  }
0x29: {  	s4 =	sld [smem:$0x3FAA]  }
0x2a: {  	p0 =	seq.s32 s5, $0x0;
	s5 =	sld [smem:$0x3FAB]  }
0x2b: {  	s6 =	sld [smem:$0x3FAC]  }
0x2c: {  	s7 =	sld [smem:$0x3FAD]  }
0x2d: {  	s3 =	simm.s32 $0x108;
	s8 =	sld [smem:$0x3FAE]  }
0x2e: {  	s3 =	simm.s32 @!p0 $0x1082;
	s9 =	sld [smem:$0x3FAF]  }
0x2f: {  	lr =	sadd.s32 s0, s3;
	s0 =	sld [smem:$0x3FA6]  }
0x30: {  	s3 =	sld [smem:$0x3FA9]  }
0x31: {  	[smem:$0x3FB2] =	sst s10  }
0x32: {  	s10 =	sld [smem:$0x3FB0];
	_ =	sdelay $0x3  }
0x33: {  	p0 =	seq.s32 s10, $0x1;
	s10 =	sld [smem:$0x3FB2];
	_ =	sdelay $0x3  }
0x34: {  	[smem:$0x3FB2] =	sst s10  }
0x35: {  	s10 =	sld [smem:$0x3FB1];
	_ =	sdelay $0x3  }
0x36: {  	p1 =	seq.s32 s10, $0x1;
	s10 =	sld [smem:$0x3FB2];
	_ =	sdelay $0x3  }
0x37: {  	[smem:$0x3FB2] =	sst s10  }
0x38: {  	s10 =	sld [smem:$0x3FB3]  }
0x39: {  	_ = 	snop;
	(pc) =	sbr.ind lr, $3  }
0x3a: {  	_ = 	snop  }
0x3b: {  	_ = 	snop  }
0x3c: {  	p2 =	seq.s32 s10, $0x1;
	s10 =	sld [smem:$0x3FB2]  }
0x3d: {  	_ =	shalt  }
0x3e: {  	_ =	shalt  }
0x3f: {  	_ =	shalt  }
0x40: {  	_ =	shalt  }
0x41: {  	_ =	shalt  }
0x42: {  	_ =	shalt  }
0x43: {  	_ =	shalt  }
0x44: {  	_ =	shalt  }
0x45: {  	_ =	shalt  }
0x46: {  	_ =	shalt  }
0x47: {  	_ =	shalt  }
0x48: {  	_ =	shalt  }
0x49: {  	_ =	shalt  }
0x4a: {  	_ =	shalt  }
0x4b: {  	_ =	shalt  }
0x4c: {  	_ =	shalt  }
0x4d: {  	_ =	shalt  }
0x4e: {  	_ =	shalt  }
0x4f: {  	_ =	shalt  }
0x50: {  	_ =	shalt  }
0x51: {  	_ =	shalt  }
0x52: {  	_ =	shalt  }
0x53: {  	_ =	shalt  }
0x54: {  	_ =	shalt  }
0x55: {  	_ =	shalt  }
0x56: {  	_ =	shalt  }
0x57: {  	_ =	shalt  }
0x58: {  	_ =	shalt  }
0x59: {  	_ =	shalt  }
0x5a: {  	_ =	shalt  }
0x5b: {  	_ =	shalt  }
0x5c: {  	_ =	shalt  }
0x5d: {  	_ =	shalt  }
0x5e: {  	_ =	shalt  }
0x5f: {  	_ =	shalt  }
0x60: {  	_ =	shalt  }
0x61: {  	_ =	shalt  }
0x62: {  	_ =	shalt  }
0x63: {  	_ =	shalt  }
0x64: {  	_ =	shalt  }
0x65: {  	_ =	shalt  }
0x66: {  	_ =	shalt  }
0x67: {  	_ =	shalt  }
0x68: {  	_ =	shalt  }
0x69: {  	_ =	shalt  }
0x6a: {  	_ =	shalt  }
0x6b: {  	_ =	shalt  }
0x6c: {  	_ =	shalt  }
0x6d: {  	_ =	shalt  }
0x6e: {  	_ =	shalt  }
0x6f: {  	_ =	shalt  }
0x70: {  	_ =	shalt  }
0x71: {  	_ =	shalt  }
0x72: {  	_ =	shalt  }
0x73: {  	_ =	shalt  }
0x74: {  	_ =	shalt  }
0x75: {  	_ =	shalt  }
0x76: {  	_ =	shalt  }
0x77: {  	_ =	shalt  }
0x78: {  	_ =	shalt  }
0x79: {  	_ =	shalt  }
0x7a: {  	_ =	shalt  }
0x7b: {  	_ =	shalt  }
0x7c: {  	_ =	shalt  }
0x7d: {  	_ =	shalt  }
0x7e: {  	_ =	shalt  }
0x7f: {  	_ =	shalt  }
0x80: {  	_ =	shalt  }
0x81: {  	_ =	shalt  }
0x82: {  	_ =	shalt  }
0x83: {  	_ =	shalt  }
0x84: {  	_ =	shalt  }
0x85: {  	_ =	shalt  }
0x86: {  	_ =	shalt  }
0x87: {  	_ =	shalt  }
.Lfunc_end0:
.L_simem_size_0:
called_computation_lowered:
.L_overlay_start_0:
0x88: {  	s2 =	sld [smem:$0x3FD9]  }
0x89: {  	s3 =	sld [smem:$0x3FFE];
	_ =	sdelay $0x1  }
0x8a: {  	s1 =	srdreg.scid  }
0x8b: {  	s0 =	sand.u32 $0x1, s1  }
0x8c: {  	s16 =	sshll.u32 s0, $0xA;
	s2 =	sadd.s32 s3, s2  }
0x8d: {  	s2 =	sadd.s32 s2, s16  }
0x8e: {  	[smem:$0x3FBE] =	sst s2  }
0x8f: {  	_ = 	snop  }
0x90: {  	(tm) =	ssettm $0x1  }
0x91: {  	s17 =	sld [smem:$0x3FFB];
	_ =	sdelay $0x3  }
0x92: {  	_ =	strace s17  }
0x93: {  	s2 =	sld [smem:$0x3FFC];
	_ =	sdelay $0x3  }
0x94: {  	_ =	strace s2  }
0x95: {  	s2 =	sld [smem:$0x3FFD];
	_ =	sdelay $0x3  }
0x96: {  	_ =	strace s2  }
0x97: {  	_ =	strace $0x8FFFFFFF  }
0x98: {  	s18 =	sld [smem:$0x3FDB];
	_ =	sdelay $0x1  }
0x99: {  	s19 =	simm.s32 $_scs_section_size  }
0x9a: {  	s4 =	simm.s32 $_size__tile_overlayer_lowered;
	s5 =	simm.s32 $_tile_overlayer_lowered  }
0x9b: {  	s22 =	simm.s32 $0x1BFF;
	s21 =	sshll.u32 s5, $0x1;
	s2 =	sadd.s32 s19, s18  }
0x9c: {  	s6 =	simm.s32 $0x0;
	s20 =	sshll.u32 s4, $0x1;
	s4 =	sadd.s32 s21, s2  }
0x9d: {  	[timem:s6], [sflag:s22] =	dma.local [hbm:s4], s20  }
0x9e: {  	_ =	swait.ge [sflag:s22], s20  }
0x9f: {  	s3 =	ssub.s32 $0x0, s20;
	[sflag:s22] =	ssyncset.done $0x0  }
0xa0: {  	[sflag:s22] =	ssyncadd.s32 s3;
	_ =	sdelay $0x1  }
0xa1: {  	s23 =	simm.s32 $0x1B8B  }
0xa2: {  	_ =	swait.ge [sflag:s23], $0x1  }
0xa3: {  	[sflag:s23] =	ssyncset.done $0x0  }
0xa4: {  	s25 =	simm.s32 $0x1B8E;
	s24 =	sld [smem:$0x3FFE];
	[sflag:s23] =	ssyncadd.s32 $0xFFFFFFFF  }
0xa5: {  	s26 =	simm.s32 $execute0_lowered;
	[smem:$0x3FD2] =	sst s25  }
0xa6: {  	s4 =	sshll.u32 s26, $0x1;
	_ =	strace $0x80000046;
	[dreg:$0x1] =	wrdreg $0xFFFFFFFF  }
0xa7: {  	s28 =	simm.s32 $_size_execute0_lowered;
	s2 =	sadd.s32 s2, s4;
	[dreg:$0x0] =	wrdreg $0x0  }
0xa8: {  	s4 =	sshll.u32 s28, $0x1;
	[dreg:$0x2] =	wrdreg s2  }
0xa9: {  	[dreg:$0x3] =	wrdreg s4  }
0xaa: {  	[dreg:$0x4] =	wrdreg $0xC0  }
0xab: {  	_ =	task [dreg:s6], $0x5FFFF  }
0xac: {  	[dreg:$0x1] =	wrdreg $0xFFFFFFFF  }
0xad: {  	[dreg:$0x0] =	wrdreg $0x60  }
0xae: {  	[dreg:$0x2] =	wrdreg s24  }
0xaf: {  	[dreg:$0x3] =	wrdreg $0x9  }
0xb0: {  	_ =	task.clear_ibuf [dreg:s6], $0x4FFFF;
	_ =	strace $0x90000046  }
0xb1: {  	s29 =	simm.s32 $0x9;
	_ =	strace $0x80000048  }
0xb2: {  	_ =	swait.ge [sflag:s29], $0x1  }
0xb3: {  	[sflag:s29] =	ssyncadd.s32 $0xFFFFFFFF  }
0xb4: {  	_ =	strace $0x90000048  }
0xb5: {  	_ =	sfence  }
0xb6: {  	s30 =	sld [smem:$0x0];
	_ =	sdelay $0x2  }
0xb7: {  	s31 =	sshll.u32 s1, $0xD;
	s1 =	sshrl.u32 s1, $0x2  }
0xb8: {  	s3 =	sand.u32 $0x4000, s31;
	s1 =	sadd.s32 s1, s30  }
0xb9: {  	s0 =	sor.u32 s3, s0;
	s1 =	sshll.u32 s1, $0x11  }
0xba: {  	s0 =	sor.u32 s1, s0  }
0xbb: {  	s0 =	sadd.s32 $0x8F2B, s0  }
0xbc: {  	[sflag:s0] =	ssyncadd.remote.s32 $0x1  }
0xbd: {  	_ =	sfence.sel $0xFFFF  }
0xbe: {  	[dreg:$0x0] =	wrdreg $0xFFFFFFFF;
	(pc) =	sbr.abs _section_cstart, $3  }
0xbf: {  	[dreg:$0x1] =	wrdreg $0xFFFFFFFF  }
0xc0: {  	_ =	task.clear_ibuf [dreg:s6], $0x2FFFF;
	_ =	strace $0x9FFFFFFF  }
0xc1: {  	(tm) =	ssettm $0x7FFFFFFF  }
tec
execute0_lowered:
.L_overlay_start_1:
0x0: {  	(tag) =	ssettag $0x1  }
0x1: {  	s8 =	rddreg [dreg:$0x0]  }
0x2: {  	s0 =	rddreg [dreg:$0x1];
	s2 =	simm.s32 $0x0;
	s1 =	stileid.u32  }
0x3: {  	s4 =	srdreg.scid;
	[smem:$0x7FF] =	sst s2;
	s6 =	sshrl.u32 s1, $0x1  }
0x4: {  	s5 =	sshll.u32 s1, $0x1;
	s25 =	sand.u32 $0x1, s4;
	s3 =	sshll.u32 s6, $0x8  }
0x5: {  	_ =	strace $0x80000047;
	s31 =	sand.u32 $0x2, s5;
	s7 =	sadd.s32 s3, s8  }
0x6: {  	s5 =	sor.u32 s25, s31;
	s3 =	simm.s32 $0x1;
	s4 =	sadd.s32 $0x2200, s7  }
0x7: {  	[tilespmem:s2], [sflag:$0x1] =	stream.linear.gather [hbm4b:s4+s2], $0x800, $0x38;
	[tilespmem:$0x1180] =	vst v63  }
0x8: {  	s6 =	sshll.u32 s6, $0x7;
	s5 =	sshll.u32 s5, $0x4;
	_ =	swait.ge [sflag:s3], $0x800  }
0x9: {  	s9 =	sor.u32 s6, s5;
	[sflag:s3] =	ssyncset.done $0x0  }
0xa: {  	s6 =	sadd.s32 $0x2A00, s7;
	s7 =	simm.s32 $0x800;
	[sflag:s3] =	ssyncadd.s32 $0xFFFFF800  }
0xb: {  	[tilespmem:s7], [sflag:$0x1] =	stream.linear.gather [hbm4b:s6+s2], $0x800, $0x38;
	[tilespmem:$0x1180] =	vst v63  }
0xc: {  	s9 =	sshrl.u32 s9, $0x3;
	_ =	swait.ge [sflag:s3], $0x800  }
0xd: {  	s28 =	sadd.s32 s9, s8;
	[sflag:s3] =	ssyncset.done $0x0  }
0xe: {  	s9 =	simm.s32 $0x1000;
	s8 =	sadd.s32 $0x3200, s28;
	[sflag:s3] =	ssyncadd.s32 $0xFFFFF800  }
0xf: {  	[tilespmem:s9], [sflag:$0x1] =	stream.linear.gather [hbm4b:s8+s2], $0x10, $0x38;
	[tilespmem:$0x1180] =	vst v63  }
0x10: {  	_ =	swait.ge [sflag:s3], $0x10  }
0x11: {  	[sflag:s3] =	ssyncset.done $0x0  }
0x12: {  	[sflag:s3] =	ssyncadd.s32 $0xFFFFFFF0  }
0x13: {  	s10 =	sor.u32 $0x780, s5;
	v0 =	vld [tilespmem:s5+$0x0]  }
0x14: {  	s11 =	sor.u32 $0x80, s5;
	v1 =	vld [tilespmem:s10+$0x0]  }
0x15: {  	s12 =	sor.u32 $0x700, s5;
	v2 =	vld [tilespmem:s11+$0x0]  }
0x16: {  	s13 =	sor.u32 $0x100, s5;
	v3 =	vld [tilespmem:s12+$0x0]  }
0x17: {  	s14 =	sor.u32 $0x680, s5;
	v4 =	vld [tilespmem:s13+$0x0]  }
0x18: {  	s15 =	sor.u32 $0x180, s5;
	v5 =	vld [tilespmem:s14+$0x0];
	vm0 =	vlt.f32 v0, $3.000000010e+38  }
0x19: {  	s16 =	sor.u32 $0x600, s5;
	v6 =	vld [tilespmem:s15+$0x0];
	v0 =	vnsel vm0, $0x7F61B1E6, v0  }
0x1a: {  	s17 =	sor.u32 $0x200, s5;
	v7 =	vld [tilespmem:s16+$0x0];
	vm1 =	vlt.f32 v2, v0  }
0x1b: {  	s18 =	sor.u32 $0x580, s5;
	v43 =	vld [tilespmem:s17+$0x0];
	v0 =	vsel vm1, v2, v0  }
0x1c: {  	s19 =	sor.u32 $0x280, s5;
	v8 =	vld [tilespmem:s18+$0x0];
	vm2 =	vlt.f32 v4, v0  }
0x1d: {  	s20 =	sor.u32 $0x500, s5;
	v44 =	vld [tilespmem:s19+$0x0];
	v0 =	vsel vm2, v4, v0  }
0x1e: {  	s21 =	sor.u32 $0x300, s5;
	v9 =	vld [tilespmem:s20+$0x0];
	vm3 =	vlt.f32 v6, v0  }
0x1f: {  	s22 =	sor.u32 $0x480, s5;
	v45 =	vld [tilespmem:s21+$0x0];
	v0 =	vsel vm3, v6, v0  }
0x20: {  	s23 =	sor.u32 $0x380, s5;
	v10 =	vld [tilespmem:s22+$0x0];
	vm4 =	vlt.f32 v43, v0  }
0x21: {  	s24 =	sor.u32 $0x400, s5;
	v46 =	vld [tilespmem:s23+$0x0];
	v0 =	vsel vm4, v43, v0  }
0x22: {  	v11 =	vld [tilespmem:s24+$0x0];
	vm5 =	vlt.f32 v44, v0  }
0x23: {  	v12 =	vld [tilespmem:s5+$0x800];
	v0 =	vsel vm5, v44, v0  }
0x24: {  	v47 =	vld [tilespmem:s11+$0x800];
	vm6 =	vlt.f32 v45, v0  }
0x25: {  	v13 =	vld [tilespmem:s13+$0x800];
	v0 =	vsel vm6, v45, v0  }
0x26: {  	v48 =	vld [tilespmem:s15+$0x800];
	vm7 =	vlt.f32 v46, v0  }
0x27: {  	v14 =	vld [tilespmem:s17+$0x800];
	v0 =	vsel vm7, v46, v0  }
0x28: {  	v50 =	vld [tilespmem:s19+$0x800];
	v49 =	vnsel vm0, $0x0, v12;
	vm8 =	vlt.f32 v11, v0  }
0x29: {  	v51 =	vld [tilespmem:s21+$0x800];
	v2 =	vsel vm1, v47, v49;
	v0 =	vsel vm8, v11, v0  }
0x2a: {  	v52 =	vld [tilespmem:s23+$0x800];
	v2 =	vsel vm2, v13, v2;
	vm9 =	vlt.f32 v10, v0  }
0x2b: {  	v53 =	vld [tilespmem:s24+$0x800];
	v2 =	vsel vm3, v48, v2;
	v0 =	vsel vm9, v10, v0  }
0x2c: {  	v54 =	vld [tilespmem:s22+$0x800];
	v2 =	vsel vm4, v14, v2;
	vm10 =	vlt.f32 v9, v0  }
0x2d: {  	v55 =	vld [tilespmem:s20+$0x800];
	v2 =	vsel vm5, v50, v2;
	v0 =	vsel vm10, v9, v0  }
0x2e: {  	v56 =	vld [tilespmem:s18+$0x800];
	v2 =	vsel vm6, v51, v2;
	vm11 =	vlt.f32 v8, v0  }
0x2f: {  	v57 =	vld [tilespmem:s16+$0x800];
	v2 =	vsel vm7, v52, v2;
	v0 =	vsel vm11, v8, v0  }
0x30: {  	v58 =	vld [tilespmem:s14+$0x800];
	v2 =	vsel vm8, v53, v2;
	vm12 =	vlt.f32 v7, v0  }
0x31: {  	v59 =	vld [tilespmem:s12+$0x800];
	v2 =	vsel vm9, v54, v2;
	v0 =	vsel vm12, v7, v0  }
0x32: {  	v60 =	vld [tilespmem:s10+$0x800];
	v2 =	vsel vm10, v55, v2;
	vm13 =	vlt.f32 v5, v0  }
0x33: {  	v61 =	vld [tilespmem:$0x1000];
	v2 =	vsel vm11, v56, v2;
	v0 =	vsel vm13, v5, v0  }
0x34: {  	v2 =	vsel vm12, v57, v2;
	vm14 =	vlt.f32 v3, v0  }
0x35: {  	v2 =	vsel vm13, v58, v2;
	v0 =	vsel vm14, v3, v0  }
0x36: {  	v2 =	vsel vm14, v59, v2;
	vm15 =	vlt.f32 v1, v0  }
0x37: {  	v0 =	vsel vm15, v60, v2  }
0x38: {  	v62 =	vshra.s32 v61, $0x5;
	v2 =	vshra.s32 v0, $0x5  }
0x39: {  	s29 =	ssub.s32 $0x2, s25;
	v63 =	vand.u32 $0x1F, v61;
	v0 =	vand.u32 $0x1F, v0;
	v1 =	vsub.s32 v2, v62  }
0x3a: {  	s30 =	sshrl.u32 s29, $0x1;
	v0 =	vsub.s32 v63, v0;
	v1 =	vcvt.s32.f32 v1  }
0x3b: {  	s29 =	ssub.s32 s29, s30;
	v0 =	vcvt.s32.f32 v0  }
0x3c: {  	s30 =	smax.u32 s29, $0x1;
	[tilespmem:$0x1080] =	vst v1  }
0x3d: {  	s26 =	simm.s32 $0x1080;
	p0 =	sne.s32 s30, $0x1;
	s25 =	sadd.s32 $0x3400, s28;
	[tilespmem:$0x1100] =	vst v0  }
0x3e: {  	[hbm4b:s25+s2] =	stream.linear.scatter [tilespmem:s26], [sflag:$0x1], $0x10, $0x38;
	[tilespmem:$0x1180] =	vst v63  }
.Ltmp0:
0x3f: {  	_ =	swait.ge [sflag:s3], $0x10;
	(pc) =	sbr.rel @!p0 .LBB2_2-.Ltmp0, $4  }
0x40: {  	[sflag:s3] =	ssyncset.done $0x0  }
0x41: {  	s29 =	simm.s32 $0x1100;
	s28 =	sadd.s32 $0x3600, s28;
	[sflag:s3] =	ssyncadd.s32 $0xFFFFFFF0  }
0x42: {  	[hbm4b:s28+s2] =	stream.linear.scatter [tilespmem:s29], [sflag:$0x1], $0x10, $0x38;
	[tilespmem:$0x1180] =	vst v63  }
0x43: {  	s30 =	sadd.s32 $0xFFFFFFFF, s30;
	_ =	swait.ge [sflag:s3], $0x10  }
.LBB2_1:
0x44: {  	p0 =	sne.s32 s30, $0x1;
	s30 =	sadd.s32 $0xFFFFFFFF, s30;
	[sflag:s3] =	ssyncset.done $0x0  }
0x45: {  	[sflag:s3] =	ssyncadd.s32 $0xFFFFFFF0  }
0x46: {  	[tilespmem:s2], [sflag:$0x1] =	stream.linear.gather [hbm4b:s4+s2], $0x800, $0x38;
	[tilespmem:$0x1180] =	vst v63  }
0x47: {  	_ =	swait.ge [sflag:s3], $0x800  }
0x48: {  	[sflag:s3] =	ssyncset.done $0x0  }
0x49: {  	[sflag:s3] =	ssyncadd.s32 $0xFFFFF800  }
0x4a: {  	[tilespmem:s7], [sflag:$0x1] =	stream.linear.gather [hbm4b:s6+s2], $0x800, $0x38;
	[tilespmem:$0x1180] =	vst v63  }
0x4b: {  	_ =	swait.ge [sflag:s3], $0x800  }
0x4c: {  	[sflag:s3] =	ssyncset.done $0x0  }
0x4d: {  	[sflag:s3] =	ssyncadd.s32 $0xFFFFF800  }
0x4e: {  	[tilespmem:s9], [sflag:$0x1] =	stream.linear.gather [hbm4b:s8+s2], $0x10, $0x38;
	[tilespmem:$0x1180] =	vst v63  }
0x4f: {  	_ =	swait.ge [sflag:s3], $0x10  }
0x50: {  	[sflag:s3] =	ssyncset.done $0x0  }
0x51: {  	[sflag:s3] =	ssyncadd.s32 $0xFFFFFFF0  }
0x52: {  	v0 =	vld [tilespmem:s5+$0x0]  }
0x53: {  	v1 =	vld [tilespmem:s10+$0x0]  }
0x54: {  	v2 =	vld [tilespmem:s11+$0x0]  }
0x55: {  	v3 =	vld [tilespmem:s12+$0x0]  }
0x56: {  	v4 =	vld [tilespmem:s13+$0x0]  }
0x57: {  	vm0 =	vlt.f32 v0, $3.000000010e+38;
	v5 =	vld [tilespmem:s14+$0x0]  }
0x58: {  	v0 =	vnsel vm0, $0x7F61B1E6, v0;
	v6 =	vld [tilespmem:s15+$0x0]  }
0x59: {  	vm1 =	vlt.f32 v2, v0;
	v7 =	vld [tilespmem:s16+$0x0]  }
0x5a: {  	v0 =	vsel vm1, v2, v0;
	v2 =	vld [tilespmem:s17+$0x0]  }
0x5b: {  	vm2 =	vlt.f32 v4, v0;
	v8 =	vld [tilespmem:s18+$0x0]  }
0x5c: {  	v0 =	vsel vm2, v4, v0;
	v4 =	vld [tilespmem:s19+$0x0]  }
0x5d: {  	vm3 =	vlt.f32 v6, v0;
	v9 =	vld [tilespmem:s20+$0x0]  }
0x5e: {  	v0 =	vsel vm3, v6, v0;
	v6 =	vld [tilespmem:s21+$0x0]  }
0x5f: {  	vm4 =	vlt.f32 v2, v0;
	v10 =	vld [tilespmem:s22+$0x0]  }
0x60: {  	v0 =	vsel vm4, v2, v0;
	v2 =	vld [tilespmem:s23+$0x0]  }
0x61: {  	vm5 =	vlt.f32 v4, v0;
	v11 =	vld [tilespmem:s24+$0x0]  }
0x62: {  	v12 =	vld [tilespmem:s5+$0x800];
	v0 =	vsel vm5, v4, v0  }
0x63: {  	v4 =	vld [tilespmem:s11+$0x800];
	vm6 =	vlt.f32 v6, v0  }
0x64: {  	v13 =	vld [tilespmem:s13+$0x800];
	v0 =	vsel vm6, v6, v0  }
0x65: {  	v6 =	vld [tilespmem:s15+$0x800];
	vm7 =	vlt.f32 v2, v0  }
0x66: {  	v14 =	vld [tilespmem:s17+$0x800];
	v0 =	vsel vm7, v2, v0  }
0x67: {  	v2 =	vnsel vm0, $0x0, v12;
	v12 =	vld [tilespmem:s19+$0x800];
	vm0 =	vlt.f32 v11, v0  }
0x68: {  	v2 =	vsel vm1, v4, v2;
	v4 =	vld [tilespmem:s21+$0x800];
	v0 =	vsel vm0, v11, v0  }
0x69: {  	v2 =	vsel vm2, v13, v2;
	v11 =	vld [tilespmem:s23+$0x800];
	vm1 =	vlt.f32 v10, v0  }
0x6a: {  	v2 =	vsel vm3, v6, v2;
	v6 =	vld [tilespmem:s24+$0x800];
	v0 =	vsel vm1, v10, v0  }
0x6b: {  	v2 =	vsel vm4, v14, v2;
	v10 =	vld [tilespmem:s22+$0x800];
	vm2 =	vlt.f32 v9, v0  }
0x6c: {  	v2 =	vsel vm5, v12, v2;
	v12 =	vld [tilespmem:s20+$0x800];
	v0 =	vsel vm2, v9, v0  }
0x6d: {  	v2 =	vsel vm6, v4, v2;
	v4 =	vld [tilespmem:s18+$0x800];
	vm3 =	vlt.f32 v8, v0  }
0x6e: {  	v2 =	vsel vm7, v11, v2;
	v0 =	vsel vm3, v8, v0;
	v8 =	vld [tilespmem:s16+$0x800]  }
0x6f: {  	v2 =	vsel vm0, v6, v2;
	vm0 =	vlt.f32 v7, v0;
	v6 =	vld [tilespmem:s14+$0x800]  }
0x70: {  	v2 =	vsel vm1, v10, v2;
	v0 =	vsel vm0, v7, v0;
	v7 =	vld [tilespmem:s12+$0x800]  }
0x71: {  	v2 =	vsel vm2, v12, v2;
	vm1 =	vlt.f32 v5, v0;
	v9 =	vld [tilespmem:s10+$0x800]  }
0x72: {  	v2 =	vsel vm3, v4, v2;
	v0 =	vsel vm1, v5, v0;
	v4 =	vld [tilespmem:$0x1000]  }
0x73: {  	v2 =	vsel vm0, v8, v2;
	vm0 =	vlt.f32 v3, v0  }
0x74: {  	v2 =	vsel vm1, v6, v2;
	v0 =	vsel vm0, v3, v0  }
0x75: {  	v2 =	vsel vm0, v7, v2;
	vm0 =	vlt.f32 v1, v0  }
0x76: {  	v0 =	vsel vm0, v9, v2  }
0x77: {  	v1 =	vshra.s32 v4, $0x5;
	v2 =	vshra.s32 v0, $0x5;
	v0 =	vand.u32 $0x1F, v0  }
0x78: {  	v3 =	vand.u32 $0x1F, v4;
	v1 =	vsub.s32 v2, v1  }
0x79: {  	v0 =	vsub.s32 v3, v0;
	v1 =	vcvt.s32.f32 v1  }
0x7a: {  	v0 =	vcvt.s32.f32 v0  }
0x7b: {  	[tilespmem:$0x1080] =	vst v1  }
0x7c: {  	[tilespmem:$0x1100] =	vst v0  }
0x7d: {  	[hbm4b:s25+s2] =	stream.linear.scatter [tilespmem:s26], [sflag:$0x1], $0x10, $0x38;
	[tilespmem:$0x1180] =	vst v63  }
.Ltmp1:
0x7e: {  	_ =	swait.ge [sflag:s3], $0x10;
	(pc) =	sbr.rel @p0 .LBB2_1-.Ltmp1, $4  }
0x7f: {  	[sflag:s3] =	ssyncset.done $0x0  }
0x80: {  	[sflag:s3] =	ssyncadd.s32 $0xFFFFFFF0  }
0x81: {  	[hbm4b:s28+s2] =	stream.linear.scatter [tilespmem:s29], [sflag:$0x1], $0x10, $0x38;
	[tilespmem:$0x1180] =	vst v63  }
0x82: {  	_ =	swait.ge [sflag:s3], $0x10  }
.LBB2_2:
0x83: {  	[sflag:s3] =	ssyncset.done $0x0  }
0x84: {  	[sflag:s3] =	ssyncadd.s32 $0xFFFFFFF0  }
0x85: {  	_ =	sfence.sel $0x180000  }
0x86: {  	[bflag:$0x0] =	sbarrier.arrive $0xFFFF  }
0x87: {  	p0 =	sne.s32 s1, $0x0;
	_ =	strace $0x90000047  }
0x88: {  	s0 =	sadd.s32 @!p0 $0x100000, s0;
	[bflag:$0x2] =	sbarrier.arrive $0xFFFF  }
0x89: {  	[sflag:s0] =	ssyncadd.tile.s32 @!p0 $0x1;
	_ =	shalt  }
.Lfunc_end2:
_tile_overlayer_lowered:
.L_overlay_start_2:
0x8a: {  	(tag) =	ssettag $0x2  }
0x8b: {  	s0 =	rddreg [dreg:$0x0];
	s2 =	stileid.u32  }
0x8c: {  	s1 =	rddreg [dreg:$0x1];
	p0 =	sne.s32 s2, $0x0  }
0x8d: {  	s3 =	rddreg [dreg:$0x2];
	[bflag:$0x3] =	sbarrier.arrive $0xFFFF;
	s2 =	simm.s32 @!p0 $0x1C01  }
0x8e: {  	[timem:s3], [sflag:s2] =	dma.local @!p0 [hbm:s0], s1  }
0x8f: {  	s0 =	simm.s32 @!p0 $0x1  }
0x90: {  	_ =	swait.ge @!p0 [sflag:s0], s1  }
0x91: {  	s1 =	ssub.s32 @!p0 $0x0, s1;
	[sflag:s0] =	ssyncset.done @!p0 $0x0  }
0x92: {  	[sflag:s0] =	ssyncadd.s32 @!p0 s1  }
0x93: {  	[bflag:$0x3] =	sbarrier.arrive $0xFFFF  }
0x94: {  	_ =	shalt  }

</sc_bundles>
